<compile_context>
chip_gen: v7x
topology: tpu7x:2x2x1
jax: 0.10.2.dev20260603
libtpu: 0.0.44.dev20260713+nightly
codegen_flags: <defaults>
</compile_context>

<pallas_src>
import functools

import jax
import jax.numpy as jnp
from jax import lax
from jax.experimental import pallas as pl
from jax.experimental.pallas import tpu as pltpu, tpu_sc as plsc

V = 100000
D = 64
B = 16384
NW = 32
B_PER_W = B // NW
CHUNK = 128
N_CHUNKS = B_PER_W // CHUNK

_TR_COLS = 4096
_TR_HALF = _TR_COLS // 2
_TR_GRID = (V + _TR_COLS - 1) // _TR_COLS
_TBL_ROWS = _TR_GRID * _TR_HALF


def _tr_body(a_ref, b_ref, out_ref):
    x = jnp.concatenate([a_ref[...], b_ref[...]], axis=0)
    packed = pltpu.bitcast(x.astype(jnp.bfloat16), jnp.float32)
    t = packed.T
    out_ref[:, 0:D] = t[:_TR_HALF]
    out_ref[:, D:2 * D] = t[_TR_HALF:]


def _transpose_both(W1, W2T):
    in_spec = pl.BlockSpec((D, _TR_COLS), lambda j: (0, j))
    return pl.pallas_call(
        _tr_body,
        grid=(_TR_GRID,),
        in_specs=[in_spec, in_spec],
        out_specs=pl.BlockSpec((_TR_HALF, 2 * D), lambda j: (j, 0)),
        out_shape=jax.ShapeDtypeStruct((_TBL_ROWS, 2 * D), jnp.float32),
    )(W1, W2T)


def _sc_body(cid_hbm, oid_hbm, tbl_hbm, z_hbm,
             cid_v, oid_v, rows1_v, rows2_v, z_v, sem):
    wid = lax.axis_index("s") * 2 + lax.axis_index("c")
    base = wid * B_PER_W
    pltpu.sync_copy(cid_hbm.at[pl.ds(base, B_PER_W)], cid_v)
    pltpu.sync_copy(oid_hbm.at[pl.ds(base, B_PER_W)], oid_v)

    def idx_body(g, _):
        sl = pl.ds(g * 16, 16)
        for ref, t in ((cid_v, 0), (oid_v, 1)):
            v = ref[sl]
            n = (((v >> 12) << 13) | ((v & 2047) << 2)
                 | (((v >> 11) & 1) << 1)) + t
            ref[sl] = n
        return 0

    lax.fori_loop(0, B_PER_W // 16, idx_body, 0)

    copies = []
    for j in range(N_CHUNKS):
        sl = pl.ds(j * CHUNK, CHUNK)
        copies.append(pltpu.async_copy(tbl_hbm.at[cid_v.at[sl]], rows1_v.at[sl], sem))
        copies.append(pltpu.async_copy(tbl_hbm.at[oid_v.at[sl]], rows2_v.at[sl], sem))
    for cp in copies:
        cp.wait()

    lane0 = lax.iota(jnp.int32, 16) == 0

    @plsc.parallel_loop(0, B_PER_W, step=1, unroll=8)
    def _elem(i):
        prods = []
        for k in range(2):
            aw = rows1_v[i, pl.ds(16 * k, 16)]
            bw = rows2_v[i, pl.ds(16 * k, 16)]
            a0, a1 = plsc.unpack(plsc.bitcast(aw, jnp.bfloat16),
                                 format=plsc.PackFormat.INTERLEAVED)
            b0, b1 = plsc.unpack(plsc.bitcast(bw, jnp.bfloat16),
                                 format=plsc.PackFormat.INTERLEAVED)
            prods.append(a0 * b0)
            prods.append(a1 * b1)
        ssum = (prods[0] + prods[1]) + (prods[2] + prods[3])
        mx4 = jnp.maximum(jnp.maximum(prods[0], prods[1]),
                          jnp.maximum(prods[2], prods[3]))
        z_i = jnp.sum(ssum) * (1.0 / D) - jnp.max(mx4)
        plsc.store_scatter(z_v, [jnp.full((16,), i, jnp.int32)],
                           jnp.full((16,), z_i, jnp.float32), mask=lane0)
    pltpu.sync_copy(z_v, z_hbm.at[pl.ds(base, B_PER_W)])


@functools.cache
def _sc_gather_dot_fn():
    mesh = plsc.VectorSubcoreMesh(core_axis_name="c", subcore_axis_name="s")
    return pl.kernel(
        _sc_body,
        out_type=jax.ShapeDtypeStruct((B,), jnp.float32),
        mesh=mesh,
        scratch_types=[
            pltpu.VMEM((B_PER_W,), jnp.int32),
            pltpu.VMEM((B_PER_W,), jnp.int32),
            pltpu.VMEM((B_PER_W, D // 2), jnp.float32),
            pltpu.VMEM((B_PER_W, D // 2), jnp.float32),
            pltpu.VMEM((B_PER_W,), jnp.float32),
            pltpu.SemaphoreType.DMA,
        ],
        compiler_params=pltpu.CompilerParams(needs_layout_passes=False,
                                             use_tc_tiling_on_sc=False),
    )


def _bce_body(z_ref, lab_ref, out_ref):
    z = jnp.clip(z_ref[...], -20.0, 20.0)
    p = 1.0 / (1.0 + jnp.exp(-z))
    lab = lab_ref[...]
    t = lab * jnp.log(p) + (1.0 - lab) * jnp.log(1.0 - p)
    out_ref[...] = jnp.reshape(-jnp.sum(t) * (1.0 / B), (1, 1))


def _bce(z, label):
    return pl.pallas_call(
        _bce_body,
        out_shape=jax.ShapeDtypeStruct((1, 1), jnp.float32),
    )(z.reshape(128, 128), label.reshape(128, 128))


def kernel(centerID, otherID, label, W1, W2):
    combined = _transpose_both(W1, W2.T)
    tbl = combined.reshape(4 * _TBL_ROWS, D // 2)
    z = _sc_gather_dot_fn()(centerID, otherID, tbl)
    loss = _bce(z, label)
    return loss[0, 0]

# --- scband reference (transcript-rebuilt; emitter-appended) ---
"""Pipeline reference for scband-model-34540126994481 (READ-ONLY COPY).

The authoritative reference and input builder live on the scoring server;
editing this copy changes nothing except your own understanding.
"""

import jax, jax.numpy as jnp
import numpy as np

WORDS_NUM = 100000
EMBED_DIM = 64
BATCH = 16384


def setup_inputs(seed: int = 0) -> dict:
    key = jax.random.key(seed)
    k1, k2, k3, k4, k5 = jax.random.split(key, 5)
    centerID = jax.random.randint(k1, (BATCH,), 0, WORDS_NUM, dtype=jnp.int64 if jax.config.jax_enable_x64 else jnp.int32).astype(jnp.int32)
    otherID = jax.random.randint(k2, (BATCH,), 0, WORDS_NUM, dtype=jnp.int64 if jax.config.jax_enable_x64 else jnp.int32).astype(jnp.int32)
    label = jax.random.uniform(k3, (BATCH,), dtype=jnp.float32)
    # torch nn.Linear(wordsNum, embeddingDim).weight has shape [embeddingDim, wordsNum]
    W1 = jax.random.normal(k4, (EMBED_DIM, WORDS_NUM), dtype=jnp.float32) * 0.02
    # torch nn.Linear(embeddingDim, wordsNum).weight has shape [wordsNum, embeddingDim]
    W2 = jax.random.normal(k5, (WORDS_NUM, EMBED_DIM), dtype=jnp.float32) * 0.02
    return {"centerID": centerID, "otherID": otherID, "label": label, "W1": W1, "W2": W2}


def _sigmoid(data):
    data = jnp.clip(data, -20.0, 20.0)
    return 1.0 / (1.0 + jnp.exp(-data))


def reference(centerID, otherID, label, W1, W2):
    # mat1 = W1.weight.T[centerID] -> gather rows of [wordsNum, embeddingDim]
    mat1 = jnp.take(W1.T, centerID, axis=0)            # [B, d]
    # mat2 = W2.weight.T[:, otherID].T -> gather rows of W2 directly
    mat2 = W2.T[:, otherID].T                          # [B, d]
    dotProduct = mat1 * mat2                           # [B, d]
    pred = jnp.mean(dotProduct, axis=-1)
    pred = pred - jnp.max(dotProduct, axis=-1)
    p = _sigmoid(pred)
    loss = -jnp.mean(label * jnp.log(p) + (1.0 - label) * jnp.log(1.0 - p))
    return loss

if __name__ == "__main__":
    import jax
    _d = setup_inputs()
    print(jax.jit(kernel)(*tuple(_d.values())))

</pallas_src>

<mosaic_0001>
#map = affine_map<(d0, d1) -> (0)>
#map1 = affine_map<(d0, d1) -> (0, 0)>
module attributes {stable_mosaic.version = 14 : i64} {
  func.func @_sc_body(%arg0: i32, %arg1: i32, %arg2: memref<16384xi32, #tpu.memory_space<hbm>>, %arg3: memref<16384xi32, #tpu.memory_space<hbm>>, %arg4: memref<204800x32xf32, #tpu.memory_space<hbm>>, %arg5: memref<16384xf32, #tpu.memory_space<hbm>>, %arg6: memref<512xi32, #tpu.memory_space<vmem>>, %arg7: memref<512xi32, #tpu.memory_space<vmem>>, %arg8: memref<512x32xf32, #tpu.memory_space<vmem>>, %arg9: memref<512x32xf32, #tpu.memory_space<vmem>>, %arg10: memref<512xf32, #tpu.memory_space<vmem>>, %arg11: memref<!tpu.dma_semaphore, #tpu.memory_space<semaphore_mem>>) attributes {dimension_semantics = [#tpu.dimension_semantics<core_parallel>, #tpu.dimension_semantics<subcore_parallel>], iteration_bounds = array<i64: 2, 16>, scalar_prefetch = 0 : i64, scratch_operands = 6 : i64, tpu.core_type = #tpu.core_type<sc_vector_subcore>, window_params = [{transform_indices = #map}, {transform_indices = #map}, {transform_indices = #map1}, {transform_indices = #map}]} {
    %mul3A = arith.constant 2 : i32
    %mul3A_0 = arith.muli %arg1, %mul3A : i32
    %add3A = arith.addi %mul3A_0, %arg0 : i32
    %mul3A_1 = arith.constant 512 : i32
    %mul3A_2 = arith.muli %add3A, %mul3A_1 : i32
    "tpu.region"() ({
      %run_scoped3A = tpu.sem_alloc : memref<!tpu.dma_semaphore, #tpu.memory_space<semaphore_mem>>
      %dma_start3A_139 = tpu.memref_slice %arg2[%mul3A_2] : memref<16384xi32, #tpu.memory_space<hbm>> -> memref<512xi32, #tpu.memory_space<hbm>>
      %dma_start3A_140 = tpu.memref_slice %arg2[%mul3A_2] : memref<16384xi32, #tpu.memory_space<hbm>> -> memref<512xi32, #tpu.memory_space<hbm>>
      tpu.enqueue_dma source(%dma_start3A_140 : memref<512xi32, #tpu.memory_space<hbm>>) target(%arg6 : memref<512xi32, #tpu.memory_space<vmem>>) target_semaphore(%run_scoped3A : memref<!tpu.dma_semaphore, #tpu.memory_space<semaphore_mem>>)
      %dma_wait3A_141 = tpu.memref_slice %arg2[%mul3A_2] : memref<16384xi32, #tpu.memory_space<hbm>> -> memref<512xi32, #tpu.memory_space<hbm>>
      %dma_wait3A_142 = tpu.memref_slice %arg2[%mul3A_2] : memref<16384xi32, #tpu.memory_space<hbm>> -> memref<512xi32, #tpu.memory_space<hbm>>
      tpu.wait_dma2 semaphore(%run_scoped3A : memref<!tpu.dma_semaphore, #tpu.memory_space<semaphore_mem>>) src(%dma_wait3A_142 : memref<512xi32, #tpu.memory_space<hbm>>) dst(%arg6 : memref<512xi32, #tpu.memory_space<vmem>>)
      tpu.yield
    }) : () -> ()
    "tpu.region"() ({
      %run_scoped3A = tpu.sem_alloc : memref<!tpu.dma_semaphore, #tpu.memory_space<semaphore_mem>>
      %dma_start3A_139 = tpu.memref_slice %arg3[%mul3A_2] : memref<16384xi32, #tpu.memory_space<hbm>> -> memref<512xi32, #tpu.memory_space<hbm>>
      %dma_start3A_140 = tpu.memref_slice %arg3[%mul3A_2] : memref<16384xi32, #tpu.memory_space<hbm>> -> memref<512xi32, #tpu.memory_space<hbm>>
      tpu.enqueue_dma source(%dma_start3A_140 : memref<512xi32, #tpu.memory_space<hbm>>) target(%arg7 : memref<512xi32, #tpu.memory_space<vmem>>) target_semaphore(%run_scoped3A : memref<!tpu.dma_semaphore, #tpu.memory_space<semaphore_mem>>)
      %dma_wait3A_141 = tpu.memref_slice %arg3[%mul3A_2] : memref<16384xi32, #tpu.memory_space<hbm>> -> memref<512xi32, #tpu.memory_space<hbm>>
      %dma_wait3A_142 = tpu.memref_slice %arg3[%mul3A_2] : memref<16384xi32, #tpu.memory_space<hbm>> -> memref<512xi32, #tpu.memory_space<hbm>>
      tpu.wait_dma2 semaphore(%run_scoped3A : memref<!tpu.dma_semaphore, #tpu.memory_space<semaphore_mem>>) src(%dma_wait3A_142 : memref<512xi32, #tpu.memory_space<hbm>>) dst(%arg7 : memref<512xi32, #tpu.memory_space<vmem>>)
      tpu.yield
    }) : () -> ()
    %scan3A = arith.constant 0 : i32
    %scan3A_3 = arith.constant 0 : i32
    %scan3A_4 = arith.constant 32 : i32
    %scan3A_5 = arith.addi %scan3A_3, %scan3A_4 : i32
    %scan3A_6 = arith.constant 1 : i32
    %scan3A_7 = scf.for %scan3A_139 = %scan3A_3 to %scan3A_5 step %scan3A_6 iter_args(%scan3A_140 = %scan3A) -> (i32)  : i32 {
      %mul3A_141 = arith.constant 16 : i32
      %mul3A_142 = arith.muli %scan3A_139, %mul3A_141 : i32
      %get3A = arith.index_cast %mul3A_142 : i32 to index
      %get3A_143 = tpu.vector_load %arg6[%get3A] {strides = array<i32>} : memref<512xi32, #tpu.memory_space<vmem>>, vector<16xi32>,
      %shift_right_arithmetic3A = arith.constant 12 : i32
      %shift_right_arithmetic3A_144 = vector.broadcast %shift_right_arithmetic3A : i32 to vector<16xi32>
      %shift_right_arithmetic3A_145 = arith.shrsi %get3A_143, %shift_right_arithmetic3A_144 : vector<16xi32>
      %shift_left3A = arith.constant 13 : i32
      %shift_left3A_146 = vector.broadcast %shift_left3A : i32 to vector<16xi32>
      %shift_left3A_147 = arith.shli %shift_right_arithmetic3A_145, %shift_left3A_146 : vector<16xi32>
      %and3A = arith.constant 2047 : i32
      %and3A_148 = vector.broadcast %and3A : i32 to vector<16xi32>
      %and3A_149 = arith.andi %get3A_143, %and3A_148 : vector<16xi32>
      %shift_left3A_150 = arith.constant 2 : i32
      %shift_left3A_151 = vector.broadcast %shift_left3A_150 : i32 to vector<16xi32>
      %shift_left3A_152 = arith.shli %and3A_149, %shift_left3A_151 : vector<16xi32>
      %or3A = arith.ori %shift_left3A_147, %shift_left3A_152 : vector<16xi32>
      %shift_right_arithmetic3A_153 = arith.constant 11 : i32
      %shift_right_arithmetic3A_154 = vector.broadcast %shift_right_arithmetic3A_153 : i32 to vector<16xi32>
      %shift_right_arithmetic3A_155 = arith.shrsi %get3A_143, %shift_right_arithmetic3A_154 : vector<16xi32>
      %and3A_156 = arith.constant 1 : i32
      %and3A_157 = vector.broadcast %and3A_156 : i32 to vector<16xi32>
      %and3A_158 = arith.andi %shift_right_arithmetic3A_155, %and3A_157 : vector<16xi32>
      %shift_left3A_159 = arith.constant 1 : i32
      %shift_left3A_160 = vector.broadcast %shift_left3A_159 : i32 to vector<16xi32>
      %shift_left3A_161 = arith.shli %and3A_158, %shift_left3A_160 : vector<16xi32>
      %or3A_162 = arith.ori %or3A, %shift_left3A_161 : vector<16xi32>
      %add3A_163 = arith.constant 0 : i32
      %add3A_164 = vector.broadcast %add3A_163 : i32 to vector<16xi32>
      %add3A_165 = arith.addi %or3A_162, %add3A_164 : vector<16xi32>
      %swap3A = arith.index_cast %mul3A_142 : i32 to index
      %swap3A_166 = tpu.vector_load %arg6[%swap3A] {strides = array<i32>} : memref<512xi32, #tpu.memory_space<vmem>>, vector<16xi32>,
      tpu.vector_store %arg6[%swap3A], %add3A_165 {strides = array<i32>} : memref<512xi32, #tpu.memory_space<vmem>>, vector<16xi32>,
      %get3A_167 = arith.index_cast %mul3A_142 : i32 to index
      %get3A_168 = tpu.vector_load %arg7[%get3A_167] {strides = array<i32>} : memref<512xi32, #tpu.memory_space<vmem>>, vector<16xi32>,
      %shift_right_arithmetic3A_169 = arith.constant 12 : i32
      %shift_right_arithmetic3A_170 = vector.broadcast %shift_right_arithmetic3A_169 : i32 to vector<16xi32>
      %shift_right_arithmetic3A_171 = arith.shrsi %get3A_168, %shift_right_arithmetic3A_170 : vector<16xi32>
      %shift_left3A_172 = arith.constant 13 : i32
      %shift_left3A_173 = vector.broadcast %shift_left3A_172 : i32 to vector<16xi32>
      %shift_left3A_174 = arith.shli %shift_right_arithmetic3A_171, %shift_left3A_173 : vector<16xi32>
      %and3A_175 = arith.constant 2047 : i32
      %and3A_176 = vector.broadcast %and3A_175 : i32 to vector<16xi32>
      %and3A_177 = arith.andi %get3A_168, %and3A_176 : vector<16xi32>
      %shift_left3A_178 = arith.constant 2 : i32
      %shift_left3A_179 = vector.broadcast %shift_left3A_178 : i32 to vector<16xi32>
      %shift_left3A_180 = arith.shli %and3A_177, %shift_left3A_179 : vector<16xi32>
      %or3A_181 = arith.ori %shift_left3A_174, %shift_left3A_180 : vector<16xi32>
      %shift_right_arithmetic3A_182 = arith.constant 11 : i32
      %shift_right_arithmetic3A_183 = vector.broadcast %shift_right_arithmetic3A_182 : i32 to vector<16xi32>
      %shift_right_arithmetic3A_184 = arith.shrsi %get3A_168, %shift_right_arithmetic3A_183 : vector<16xi32>
      %and3A_185 = arith.constant 1 : i32
      %and3A_186 = vector.broadcast %and3A_185 : i32 to vector<16xi32>
      %and3A_187 = arith.andi %shift_right_arithmetic3A_184, %and3A_186 : vector<16xi32>
      %shift_left3A_188 = arith.constant 1 : i32
      %shift_left3A_189 = vector.broadcast %shift_left3A_188 : i32 to vector<16xi32>
      %shift_left3A_190 = arith.shli %and3A_187, %shift_left3A_189 : vector<16xi32>
      %or3A_191 = arith.ori %or3A_181, %shift_left3A_190 : vector<16xi32>
      %add3A_192 = arith.constant 1 : i32
      %add3A_193 = vector.broadcast %add3A_192 : i32 to vector<16xi32>
      %add3A_194 = arith.addi %or3A_191, %add3A_193 : vector<16xi32>
      %swap3A_195 = arith.index_cast %mul3A_142 : i32 to index
      %swap3A_196 = tpu.vector_load %arg7[%swap3A_195] {strides = array<i32>} : memref<512xi32, #tpu.memory_space<vmem>>, vector<16xi32>,
      tpu.vector_store %arg7[%swap3A_195], %add3A_194 {strides = array<i32>} : memref<512xi32, #tpu.memory_space<vmem>>, vector<16xi32>,
      %scan3A_197 = arith.constant 0 : i32
      scf.yield %scan3A_197 : i32
    }
    %scan3A_8 = arith.constant 32 : i32
    %dma_start3A = arith.constant 0 : i32
    %dma_start3A_9 = arith.constant 0 : i32
    %dma_start3A_10 = tpu.memref_slice %arg8[%dma_start3A, %dma_start3A_9] : memref<512x32xf32, #tpu.memory_space<vmem>> -> memref<128x32xf32, #tpu.memory_space<vmem>>
    %dma_start3A_11 = arith.constant 0 : i32
    %dma_start3A_12 = tpu.memref_slice %arg6[%dma_start3A_11] : memref<512xi32, #tpu.memory_space<vmem>> -> memref<128xi32, #tpu.memory_space<vmem>>
    %dma_start3A_13 = arith.constant 0 : i32
    %dma_start3A_14 = arith.constant 0 : i32
    %dma_start3A_15 = tpu.memref_slice %arg4[%dma_start3A_13, %dma_start3A_14] : memref<204800x32xf32, #tpu.memory_space<hbm>> -> memref<204800x32xf32, #tpu.memory_space<hbm>>
    tpu.enqueue_indirect_dma source(%dma_start3A_15 : memref<204800x32xf32, #tpu.memory_space<hbm>>) target(%dma_start3A_10 : memref<128x32xf32, #tpu.memory_space<vmem>>) offsets(%dma_start3A_12 : memref<128xi32, #tpu.memory_space<vmem>>) semaphore(%arg11 : memref<!tpu.dma_semaphore, #tpu.memory_space<semaphore_mem>>)
    %dma_start3A_16 = arith.constant 0 : i32
    %dma_start3A_17 = arith.constant 0 : i32
    %dma_start3A_18 = tpu.memref_slice %arg9[%dma_start3A_16, %dma_start3A_17] : memref<512x32xf32, #tpu.memory_space<vmem>> -> memref<128x32xf32, #tpu.memory_space<vmem>>
    %dma_start3A_19 = arith.constant 0 : i32
    %dma_start3A_20 = tpu.memref_slice %arg7[%dma_start3A_19] : memref<512xi32, #tpu.memory_space<vmem>> -> memref<128xi32, #tpu.memory_space<vmem>>
    %dma_start3A_21 = arith.constant 0 : i32
    %dma_start3A_22 = arith.constant 0 : i32
    %dma_start3A_23 = tpu.memref_slice %arg4[%dma_start3A_21, %dma_start3A_22] : memref<204800x32xf32, #tpu.memory_space<hbm>> -> memref<204800x32xf32, #tpu.memory_space<hbm>>
    tpu.enqueue_indirect_dma source(%dma_start3A_23 : memref<204800x32xf32, #tpu.memory_space<hbm>>) target(%dma_start3A_18 : memref<128x32xf32, #tpu.memory_space<vmem>>) offsets(%dma_start3A_20 : memref<128xi32, #tpu.memory_space<vmem>>) semaphore(%arg11 : memref<!tpu.dma_semaphore, #tpu.memory_space<semaphore_mem>>)
    %dma_start3A_24 = arith.constant 128 : i32
    %dma_start3A_25 = arith.constant 0 : i32
    %dma_start3A_26 = tpu.memref_slice %arg8[%dma_start3A_24, %dma_start3A_25] : memref<512x32xf32, #tpu.memory_space<vmem>> -> memref<128x32xf32, #tpu.memory_space<vmem>>
    %dma_start3A_27 = arith.constant 128 : i32
    %dma_start3A_28 = tpu.memref_slice %arg6[%dma_start3A_27] : memref<512xi32, #tpu.memory_space<vmem>> -> memref<128xi32, #tpu.memory_space<vmem>>
    %dma_start3A_29 = arith.constant 0 : i32
    %dma_start3A_30 = arith.constant 0 : i32
    %dma_start3A_31 = tpu.memref_slice %arg4[%dma_start3A_29, %dma_start3A_30] : memref<204800x32xf32, #tpu.memory_space<hbm>> -> memref<204800x32xf32, #tpu.memory_space<hbm>>
    tpu.enqueue_indirect_dma source(%dma_start3A_31 : memref<204800x32xf32, #tpu.memory_space<hbm>>) target(%dma_start3A_26 : memref<128x32xf32, #tpu.memory_space<vmem>>) offsets(%dma_start3A_28 : memref<128xi32, #tpu.memory_space<vmem>>) semaphore(%arg11 : memref<!tpu.dma_semaphore, #tpu.memory_space<semaphore_mem>>)
    %dma_start3A_32 = arith.constant 128 : i32
    %dma_start3A_33 = arith.constant 0 : i32
    %dma_start3A_34 = tpu.memref_slice %arg9[%dma_start3A_32, %dma_start3A_33] : memref<512x32xf32, #tpu.memory_space<vmem>> -> memref<128x32xf32, #tpu.memory_space<vmem>>
    %dma_start3A_35 = arith.constant 128 : i32
    %dma_start3A_36 = tpu.memref_slice %arg7[%dma_start3A_35] : memref<512xi32, #tpu.memory_space<vmem>> -> memref<128xi32, #tpu.memory_space<vmem>>
    %dma_start3A_37 = arith.constant 0 : i32
    %dma_start3A_38 = arith.constant 0 : i32
    %dma_start3A_39 = tpu.memref_slice %arg4[%dma_start3A_37, %dma_start3A_38] : memref<204800x32xf32, #tpu.memory_space<hbm>> -> memref<204800x32xf32, #tpu.memory_space<hbm>>
    tpu.enqueue_indirect_dma source(%dma_start3A_39 : memref<204800x32xf32, #tpu.memory_space<hbm>>) target(%dma_start3A_34 : memref<128x32xf32, #tpu.memory_space<vmem>>) offsets(%dma_start3A_36 : memref<128xi32, #tpu.memory_space<vmem>>) semaphore(%arg11 : memref<!tpu.dma_semaphore, #tpu.memory_space<semaphore_mem>>)
    %dma_start3A_40 = arith.constant 256 : i32
    %dma_start3A_41 = arith.constant 0 : i32
    %dma_start3A_42 = tpu.memref_slice %arg8[%dma_start3A_40, %dma_start3A_41] : memref<512x32xf32, #tpu.memory_space<vmem>> -> memref<128x32xf32, #tpu.memory_space<vmem>>
    %dma_start3A_43 = arith.constant 256 : i32
    %dma_start3A_44 = tpu.memref_slice %arg6[%dma_start3A_43] : memref<512xi32, #tpu.memory_space<vmem>> -> memref<128xi32, #tpu.memory_space<vmem>>
    %dma_start3A_45 = arith.constant 0 : i32
    %dma_start3A_46 = arith.constant 0 : i32
    %dma_start3A_47 = tpu.memref_slice %arg4[%dma_start3A_45, %dma_start3A_46] : memref<204800x32xf32, #tpu.memory_space<hbm>> -> memref<204800x32xf32, #tpu.memory_space<hbm>>
    tpu.enqueue_indirect_dma source(%dma_start3A_47 : memref<204800x32xf32, #tpu.memory_space<hbm>>) target(%dma_start3A_42 : memref<128x32xf32, #tpu.memory_space<vmem>>) offsets(%dma_start3A_44 : memref<128xi32, #tpu.memory_space<vmem>>) semaphore(%arg11 : memref<!tpu.dma_semaphore, #tpu.memory_space<semaphore_mem>>)
    %dma_start3A_48 = arith.constant 256 : i32
    %dma_start3A_49 = arith.constant 0 : i32
    %dma_start3A_50 = tpu.memref_slice %arg9[%dma_start3A_48, %dma_start3A_49] : memref<512x32xf32, #tpu.memory_space<vmem>> -> memref<128x32xf32, #tpu.memory_space<vmem>>
    %dma_start3A_51 = arith.constant 256 : i32
    %dma_start3A_52 = tpu.memref_slice %arg7[%dma_start3A_51] : memref<512xi32, #tpu.memory_space<vmem>> -> memref<128xi32, #tpu.memory_space<vmem>>
    %dma_start3A_53 = arith.constant 0 : i32
    %dma_start3A_54 = arith.constant 0 : i32
    %dma_start3A_55 = tpu.memref_slice %arg4[%dma_start3A_53, %dma_start3A_54] : memref<204800x32xf32, #tpu.memory_space<hbm>> -> memref<204800x32xf32, #tpu.memory_space<hbm>>
    tpu.enqueue_indirect_dma source(%dma_start3A_55 : memref<204800x32xf32, #tpu.memory_space<hbm>>) target(%dma_start3A_50 : memref<128x32xf32, #tpu.memory_space<vmem>>) offsets(%dma_start3A_52 : memref<128xi32, #tpu.memory_space<vmem>>) semaphore(%arg11 : memref<!tpu.dma_semaphore, #tpu.memory_space<semaphore_mem>>)
    %dma_start3A_56 = arith.constant 384 : i32
    %dma_start3A_57 = arith.constant 0 : i32
    %dma_start3A_58 = tpu.memref_slice %arg8[%dma_start3A_56, %dma_start3A_57] : memref<512x32xf32, #tpu.memory_space<vmem>> -> memref<128x32xf32, #tpu.memory_space<vmem>>
    %dma_start3A_59 = arith.constant 384 : i32
    %dma_start3A_60 = tpu.memref_slice %arg6[%dma_start3A_59] : memref<512xi32, #tpu.memory_space<vmem>> -> memref<128xi32, #tpu.memory_space<vmem>>
    %dma_start3A_61 = arith.constant 0 : i32
    %dma_start3A_62 = arith.constant 0 : i32
    %dma_start3A_63 = tpu.memref_slice %arg4[%dma_start3A_61, %dma_start3A_62] : memref<204800x32xf32, #tpu.memory_space<hbm>> -> memref<204800x32xf32, #tpu.memory_space<hbm>>
    tpu.enqueue_indirect_dma source(%dma_start3A_63 : memref<204800x32xf32, #tpu.memory_space<hbm>>) target(%dma_start3A_58 : memref<128x32xf32, #tpu.memory_space<vmem>>) offsets(%dma_start3A_60 : memref<128xi32, #tpu.memory_space<vmem>>) semaphore(%arg11 : memref<!tpu.dma_semaphore, #tpu.memory_space<semaphore_mem>>)
    %dma_start3A_64 = arith.constant 384 : i32
    %dma_start3A_65 = arith.constant 0 : i32
    %dma_start3A_66 = tpu.memref_slice %arg9[%dma_start3A_64, %dma_start3A_65] : memref<512x32xf32, #tpu.memory_space<vmem>> -> memref<128x32xf32, #tpu.memory_space<vmem>>
    %dma_start3A_67 = arith.constant 384 : i32
    %dma_start3A_68 = tpu.memref_slice %arg7[%dma_start3A_67] : memref<512xi32, #tpu.memory_space<vmem>> -> memref<128xi32, #tpu.memory_space<vmem>>
    %dma_start3A_69 = arith.constant 0 : i32
    %dma_start3A_70 = arith.constant 0 : i32
    %dma_start3A_71 = tpu.memref_slice %arg4[%dma_start3A_69, %dma_start3A_70] : memref<204800x32xf32, #tpu.memory_space<hbm>> -> memref<204800x32xf32, #tpu.memory_space<hbm>>
    tpu.enqueue_indirect_dma source(%dma_start3A_71 : memref<204800x32xf32, #tpu.memory_space<hbm>>) target(%dma_start3A_66 : memref<128x32xf32, #tpu.memory_space<vmem>>) offsets(%dma_start3A_68 : memref<128xi32, #tpu.memory_space<vmem>>) semaphore(%arg11 : memref<!tpu.dma_semaphore, #tpu.memory_space<semaphore_mem>>)
    %dma_wait3A = arith.constant 0 : i32
    %dma_wait3A_72 = arith.constant 0 : i32
    %dma_wait3A_73 = tpu.memref_slice %arg8[%dma_wait3A, %dma_wait3A_72] : memref<512x32xf32, #tpu.memory_space<vmem>> -> memref<128x32xf32, #tpu.memory_space<vmem>>
    %dma_wait3A_74 = arith.constant 0 : i32
    %dma_wait3A_75 = tpu.memref_slice %arg6[%dma_wait3A_74] : memref<512xi32, #tpu.memory_space<vmem>> -> memref<128xi32, #tpu.memory_space<vmem>>
    %dma_wait3A_76 = arith.constant 0 : i32
    %dma_wait3A_77 = arith.constant 0 : i32
    %dma_wait3A_78 = tpu.memref_slice %arg4[%dma_wait3A_76, %dma_wait3A_77] : memref<204800x32xf32, #tpu.memory_space<hbm>> -> memref<204800x32xf32, #tpu.memory_space<hbm>>
    tpu.wait_indirect_dma semaphore(%arg11 : memref<!tpu.dma_semaphore, #tpu.memory_space<semaphore_mem>>) src(%dma_wait3A_78 : memref<204800x32xf32, #tpu.memory_space<hbm>>) dst(%dma_wait3A_73 : memref<128x32xf32, #tpu.memory_space<vmem>>)
    %dma_wait3A_79 = arith.constant 0 : i32
    %dma_wait3A_80 = arith.constant 0 : i32
    %dma_wait3A_81 = tpu.memref_slice %arg9[%dma_wait3A_79, %dma_wait3A_80] : memref<512x32xf32, #tpu.memory_space<vmem>> -> memref<128x32xf32, #tpu.memory_space<vmem>>
    %dma_wait3A_82 = arith.constant 0 : i32
    %dma_wait3A_83 = tpu.memref_slice %arg7[%dma_wait3A_82] : memref<512xi32, #tpu.memory_space<vmem>> -> memref<128xi32, #tpu.memory_space<vmem>>
    %dma_wait3A_84 = arith.constant 0 : i32
    %dma_wait3A_85 = arith.constant 0 : i32
    %dma_wait3A_86 = tpu.memref_slice %arg4[%dma_wait3A_84, %dma_wait3A_85] : memref<204800x32xf32, #tpu.memory_space<hbm>> -> memref<204800x32xf32, #tpu.memory_space<hbm>>
    tpu.wait_indirect_dma semaphore(%arg11 : memref<!tpu.dma_semaphore, #tpu.memory_space<semaphore_mem>>) src(%dma_wait3A_86 : memref<204800x32xf32, #tpu.memory_space<hbm>>) dst(%dma_wait3A_81 : memref<128x32xf32, #tpu.memory_space<vmem>>)
    %dma_wait3A_87 = arith.constant 128 : i32
    %dma_wait3A_88 = arith.constant 0 : i32
    %dma_wait3A_89 = tpu.memref_slice %arg8[%dma_wait3A_87, %dma_wait3A_88] : memref<512x32xf32, #tpu.memory_space<vmem>> -> memref<128x32xf32, #tpu.memory_space<vmem>>
    %dma_wait3A_90 = arith.constant 128 : i32
    %dma_wait3A_91 = tpu.memref_slice %arg6[%dma_wait3A_90] : memref<512xi32, #tpu.memory_space<vmem>> -> memref<128xi32, #tpu.memory_space<vmem>>
    %dma_wait3A_92 = arith.constant 0 : i32
    %dma_wait3A_93 = arith.constant 0 : i32
    %dma_wait3A_94 = tpu.memref_slice %arg4[%dma_wait3A_92, %dma_wait3A_93] : memref<204800x32xf32, #tpu.memory_space<hbm>> -> memref<204800x32xf32, #tpu.memory_space<hbm>>
    tpu.wait_indirect_dma semaphore(%arg11 : memref<!tpu.dma_semaphore, #tpu.memory_space<semaphore_mem>>) src(%dma_wait3A_94 : memref<204800x32xf32, #tpu.memory_space<hbm>>) dst(%dma_wait3A_89 : memref<128x32xf32, #tpu.memory_space<vmem>>)
    %dma_wait3A_95 = arith.constant 128 : i32
    %dma_wait3A_96 = arith.constant 0 : i32
    %dma_wait3A_97 = tpu.memref_slice %arg9[%dma_wait3A_95, %dma_wait3A_96] : memref<512x32xf32, #tpu.memory_space<vmem>> -> memref<128x32xf32, #tpu.memory_space<vmem>>
    %dma_wait3A_98 = arith.constant 128 : i32
    %dma_wait3A_99 = tpu.memref_slice %arg7[%dma_wait3A_98] : memref<512xi32, #tpu.memory_space<vmem>> -> memref<128xi32, #tpu.memory_space<vmem>>
    %dma_wait3A_100 = arith.constant 0 : i32
    %dma_wait3A_101 = arith.constant 0 : i32
    %dma_wait3A_102 = tpu.memref_slice %arg4[%dma_wait3A_100, %dma_wait3A_101] : memref<204800x32xf32, #tpu.memory_space<hbm>> -> memref<204800x32xf32, #tpu.memory_space<hbm>>
    tpu.wait_indirect_dma semaphore(%arg11 : memref<!tpu.dma_semaphore, #tpu.memory_space<semaphore_mem>>) src(%dma_wait3A_102 : memref<204800x32xf32, #tpu.memory_space<hbm>>) dst(%dma_wait3A_97 : memref<128x32xf32, #tpu.memory_space<vmem>>)
    %dma_wait3A_103 = arith.constant 256 : i32
    %dma_wait3A_104 = arith.constant 0 : i32
    %dma_wait3A_105 = tpu.memref_slice %arg8[%dma_wait3A_103, %dma_wait3A_104] : memref<512x32xf32, #tpu.memory_space<vmem>> -> memref<128x32xf32, #tpu.memory_space<vmem>>
    %dma_wait3A_106 = arith.constant 256 : i32
    %dma_wait3A_107 = tpu.memref_slice %arg6[%dma_wait3A_106] : memref<512xi32, #tpu.memory_space<vmem>> -> memref<128xi32, #tpu.memory_space<vmem>>
    %dma_wait3A_108 = arith.constant 0 : i32
    %dma_wait3A_109 = arith.constant 0 : i32
    %dma_wait3A_110 = tpu.memref_slice %arg4[%dma_wait3A_108, %dma_wait3A_109] : memref<204800x32xf32, #tpu.memory_space<hbm>> -> memref<204800x32xf32, #tpu.memory_space<hbm>>
    tpu.wait_indirect_dma semaphore(%arg11 : memref<!tpu.dma_semaphore, #tpu.memory_space<semaphore_mem>>) src(%dma_wait3A_110 : memref<204800x32xf32, #tpu.memory_space<hbm>>) dst(%dma_wait3A_105 : memref<128x32xf32, #tpu.memory_space<vmem>>)
    %dma_wait3A_111 = arith.constant 256 : i32
    %dma_wait3A_112 = arith.constant 0 : i32
    %dma_wait3A_113 = tpu.memref_slice %arg9[%dma_wait3A_111, %dma_wait3A_112] : memref<512x32xf32, #tpu.memory_space<vmem>> -> memref<128x32xf32, #tpu.memory_space<vmem>>
    %dma_wait3A_114 = arith.constant 256 : i32
    %dma_wait3A_115 = tpu.memref_slice %arg7[%dma_wait3A_114] : memref<512xi32, #tpu.memory_space<vmem>> -> memref<128xi32, #tpu.memory_space<vmem>>
    %dma_wait3A_116 = arith.constant 0 : i32
    %dma_wait3A_117 = arith.constant 0 : i32
    %dma_wait3A_118 = tpu.memref_slice %arg4[%dma_wait3A_116, %dma_wait3A_117] : memref<204800x32xf32, #tpu.memory_space<hbm>> -> memref<204800x32xf32, #tpu.memory_space<hbm>>
    tpu.wait_indirect_dma semaphore(%arg11 : memref<!tpu.dma_semaphore, #tpu.memory_space<semaphore_mem>>) src(%dma_wait3A_118 : memref<204800x32xf32, #tpu.memory_space<hbm>>) dst(%dma_wait3A_113 : memref<128x32xf32, #tpu.memory_space<vmem>>)
    %dma_wait3A_119 = arith.constant 384 : i32
    %dma_wait3A_120 = arith.constant 0 : i32
    %dma_wait3A_121 = tpu.memref_slice %arg8[%dma_wait3A_119, %dma_wait3A_120] : memref<512x32xf32, #tpu.memory_space<vmem>> -> memref<128x32xf32, #tpu.memory_space<vmem>>
    %dma_wait3A_122 = arith.constant 384 : i32
    %dma_wait3A_123 = tpu.memref_slice %arg6[%dma_wait3A_122] : memref<512xi32, #tpu.memory_space<vmem>> -> memref<128xi32, #tpu.memory_space<vmem>>
    %dma_wait3A_124 = arith.constant 0 : i32
    %dma_wait3A_125 = arith.constant 0 : i32
    %dma_wait3A_126 = tpu.memref_slice %arg4[%dma_wait3A_124, %dma_wait3A_125] : memref<204800x32xf32, #tpu.memory_space<hbm>> -> memref<204800x32xf32, #tpu.memory_space<hbm>>
    tpu.wait_indirect_dma semaphore(%arg11 : memref<!tpu.dma_semaphore, #tpu.memory_space<semaphore_mem>>) src(%dma_wait3A_126 : memref<204800x32xf32, #tpu.memory_space<hbm>>) dst(%dma_wait3A_121 : memref<128x32xf32, #tpu.memory_space<vmem>>)
    %dma_wait3A_127 = arith.constant 384 : i32
    %dma_wait3A_128 = arith.constant 0 : i32
    %dma_wait3A_129 = tpu.memref_slice %arg9[%dma_wait3A_127, %dma_wait3A_128] : memref<512x32xf32, #tpu.memory_space<vmem>> -> memref<128x32xf32, #tpu.memory_space<vmem>>
    %dma_wait3A_130 = arith.constant 384 : i32
    %dma_wait3A_131 = tpu.memref_slice %arg7[%dma_wait3A_130] : memref<512xi32, #tpu.memory_space<vmem>> -> memref<128xi32, #tpu.memory_space<vmem>>
    %dma_wait3A_132 = arith.constant 0 : i32
    %dma_wait3A_133 = arith.constant 0 : i32
    %dma_wait3A_134 = tpu.memref_slice %arg4[%dma_wait3A_132, %dma_wait3A_133] : memref<204800x32xf32, #tpu.memory_space<hbm>> -> memref<204800x32xf32, #tpu.memory_space<hbm>>
    tpu.wait_indirect_dma semaphore(%arg11 : memref<!tpu.dma_semaphore, #tpu.memory_space<semaphore_mem>>) src(%dma_wait3A_134 : memref<204800x32xf32, #tpu.memory_space<hbm>>) dst(%dma_wait3A_129 : memref<128x32xf32, #tpu.memory_space<vmem>>)
    %iota3A = tpu.iota {dimensions = array<i32: 0>} : vector<16xi32>
    %eq3A = arith.constant 0 : i32
    %eq3A_135 = vector.broadcast %eq3A : i32 to vector<16xi32>
    %eq3A_136 = arith.cmpi eq, %iota3A, %eq3A_135 : vector<16xi32>
    %parallel_loop3A = arith.constant 0 : i32
    %parallel_loop3A_137 = arith.constant 512 : i32
    %parallel_loop3A_138 = arith.constant 1 : i32
    scf.for %parallel_loop3A_139 = %parallel_loop3A to %parallel_loop3A_137 step %parallel_loop3A_138  : i32 {
      %parallel_loop3A_140 = arith.index_cast %parallel_loop3A_139 : i32 to index
      %parallel_loop3A_141 = arith.constant 0 : index
      %parallel_loop3A_142 = tpu.vector_load %arg8[%parallel_loop3A_140, %parallel_loop3A_141] {strides = array<i32>} : memref<512x32xf32, #tpu.memory_space<vmem>>, vector<16xf32>,
      %parallel_loop3A_143 = arith.index_cast %parallel_loop3A_139 : i32 to index
      %parallel_loop3A_144 = arith.constant 0 : index
      %parallel_loop3A_145 = tpu.vector_load %arg9[%parallel_loop3A_143, %parallel_loop3A_144] {strides = array<i32>} : memref<512x32xf32, #tpu.memory_space<vmem>>, vector<16xf32>,
      %parallel_loop3A_146 = vector.bitcast %parallel_loop3A_142 : vector<16xf32> to vector<32xbf16>
      %parallel_loop3A_147 = tpu.unpack_subelements %parallel_loop3A_146, 0 {pack_format = #tpu.pack_format<interleaved>} : vector<32xbf16> -> vector<16xf32>
      %parallel_loop3A_148 = tpu.unpack_subelements %parallel_loop3A_146, 1 {pack_format = #tpu.pack_format<interleaved>} : vector<32xbf16> -> vector<16xf32>
      %parallel_loop3A_149 = vector.bitcast %parallel_loop3A_145 : vector<16xf32> to vector<32xbf16>
      %parallel_loop3A_150 = tpu.unpack_subelements %parallel_loop3A_149, 0 {pack_format = #tpu.pack_format<interleaved>} : vector<32xbf16> -> vector<16xf32>
      %parallel_loop3A_151 = tpu.unpack_subelements %parallel_loop3A_149, 1 {pack_format = #tpu.pack_format<interleaved>} : vector<32xbf16> -> vector<16xf32>
      %parallel_loop3A_152 = arith.mulf %parallel_loop3A_147, %parallel_loop3A_150 : vector<16xf32>
      %parallel_loop3A_153 = arith.mulf %parallel_loop3A_148, %parallel_loop3A_151 : vector<16xf32>
      %parallel_loop3A_154 = arith.index_cast %parallel_loop3A_139 : i32 to index
      %parallel_loop3A_155 = arith.constant 16 : index
      %parallel_loop3A_156 = tpu.vector_load %arg8[%parallel_loop3A_154, %parallel_loop3A_155] {strides = array<i32>} : memref<512x32xf32, #tpu.memory_space<vmem>>, vector<16xf32>,
      %parallel_loop3A_157 = arith.index_cast %parallel_loop3A_139 : i32 to index
      %parallel_loop3A_158 = arith.constant 16 : index
      %parallel_loop3A_159 = tpu.vector_load %arg9[%parallel_loop3A_157, %parallel_loop3A_158] {strides = array<i32>} : memref<512x32xf32, #tpu.memory_space<vmem>>, vector<16xf32>,
      %parallel_loop3A_160 = vector.bitcast %parallel_loop3A_156 : vector<16xf32> to vector<32xbf16>
      %parallel_loop3A_161 = tpu.unpack_subelements %parallel_loop3A_160, 0 {pack_format = #tpu.pack_format<interleaved>} : vector<32xbf16> -> vector<16xf32>
      %parallel_loop3A_162 = tpu.unpack_subelements %parallel_loop3A_160, 1 {pack_format = #tpu.pack_format<interleaved>} : vector<32xbf16> -> vector<16xf32>
      %parallel_loop3A_163 = vector.bitcast %parallel_loop3A_159 : vector<16xf32> to vector<32xbf16>
      %parallel_loop3A_164 = tpu.unpack_subelements %parallel_loop3A_163, 0 {pack_format = #tpu.pack_format<interleaved>} : vector<32xbf16> -> vector<16xf32>
      %parallel_loop3A_165 = tpu.unpack_subelements %parallel_loop3A_163, 1 {pack_format = #tpu.pack_format<interleaved>} : vector<32xbf16> -> vector<16xf32>
      %parallel_loop3A_166 = arith.mulf %parallel_loop3A_161, %parallel_loop3A_164 : vector<16xf32>
      %parallel_loop3A_167 = arith.mulf %parallel_loop3A_162, %parallel_loop3A_165 : vector<16xf32>
      %parallel_loop3A_168 = arith.addf %parallel_loop3A_152, %parallel_loop3A_153 : vector<16xf32>
      %parallel_loop3A_169 = arith.addf %parallel_loop3A_166, %parallel_loop3A_167 : vector<16xf32>
      %parallel_loop3A_170 = arith.addf %parallel_loop3A_168, %parallel_loop3A_169 : vector<16xf32>
      %parallel_loop3A_171 = arith.maximumf %parallel_loop3A_152, %parallel_loop3A_153 : vector<16xf32>
      %parallel_loop3A_172 = arith.maximumf %parallel_loop3A_166, %parallel_loop3A_167 : vector<16xf32>
      %parallel_loop3A_173 = arith.maximumf %parallel_loop3A_171, %parallel_loop3A_172 : vector<16xf32>
      %parallel_loop3A_174 = arith.constant true
      %parallel_loop3A_175 = vector.broadcast %parallel_loop3A_174 : i1 to vector<16xi1>
      %parallel_loop3A_176 = tpu.scan <sum>, %parallel_loop3A_170 masked %parallel_loop3A_175 : vector<16xf32>, vector<16xi1> -> vector<16xf32>
      %parallel_loop3A_177 = vector.extract %parallel_loop3A_176[15] : f32 from vector<16xf32>
      %parallel_loop3A_178 = arith.constant 1.562500e-02 : f32
      %parallel_loop3A_179 = arith.mulf %parallel_loop3A_177, %parallel_loop3A_178 : f32
      %parallel_loop3A_180 = arith.constant true
      %parallel_loop3A_181 = vector.broadcast %parallel_loop3A_180 : i1 to vector<16xi1>
      %parallel_loop3A_182 = tpu.scan <max>, %parallel_loop3A_173 masked %parallel_loop3A_181 : vector<16xf32>, vector<16xi1> -> vector<16xf32>
      %parallel_loop3A_183 = vector.extract %parallel_loop3A_182[15] : f32 from vector<16xf32>
      %parallel_loop3A_184 = arith.subf %parallel_loop3A_179, %parallel_loop3A_183 : f32
      %parallel_loop3A_185 = vector.broadcast %parallel_loop3A_139 : i32 to vector<16xi32>
      %parallel_loop3A_186 = vector.broadcast %parallel_loop3A_184 : f32 to vector<16xf32>
      tpu.vector_store_idx %arg10[%parallel_loop3A_185], %parallel_loop3A_186 masked %eq3A_136 : memref<512xf32, #tpu.memory_space<vmem>>[vector<16xi32>], vector<16xf32>, vector<16xi1>
    } {sc.loop_unroll_factor = 8 : i64, sc.parallel_access}
    "tpu.region"() ({
      %run_scoped3A = tpu.sem_alloc : memref<!tpu.dma_semaphore, #tpu.memory_space<semaphore_mem>>
      %dma_start3A_139 = tpu.memref_slice %arg5[%mul3A_2] : memref<16384xf32, #tpu.memory_space<hbm>> -> memref<512xf32, #tpu.memory_space<hbm>>
      %dma_start3A_140 = tpu.memref_slice %arg5[%mul3A_2] : memref<16384xf32, #tpu.memory_space<hbm>> -> memref<512xf32, #tpu.memory_space<hbm>>
      tpu.enqueue_dma source(%arg10 : memref<512xf32, #tpu.memory_space<vmem>>) target(%dma_start3A_140 : memref<512xf32, #tpu.memory_space<hbm>>) target_semaphore(%run_scoped3A : memref<!tpu.dma_semaphore, #tpu.memory_space<semaphore_mem>>)
      %dma_wait3A_141 = tpu.memref_slice %arg5[%mul3A_2] : memref<16384xf32, #tpu.memory_space<hbm>> -> memref<512xf32, #tpu.memory_space<hbm>>
      %dma_wait3A_142 = tpu.memref_slice %arg5[%mul3A_2] : memref<16384xf32, #tpu.memory_space<hbm>> -> memref<512xf32, #tpu.memory_space<hbm>>
      tpu.wait_dma2 semaphore(%run_scoped3A : memref<!tpu.dma_semaphore, #tpu.memory_space<semaphore_mem>>) src(%arg10 : memref<512xf32, #tpu.memory_space<vmem>>) dst(%dma_wait3A_142 : memref<512xf32, #tpu.memory_space<hbm>>)
      tpu.yield
    }) : () -> ()
    return
  }
}

module attributes {stable_mosaic.version = 14 : i64} {
  func.func @_tr_body(%arg0: i32, %arg1: memref<64x4096xf32, #tpu.memory_space<vmem>>, %arg2: memref<64x4096xf32, #tpu.memory_space<vmem>>, %arg3: memref<2048x128xf32, #tpu.memory_space<vmem>>) attributes {dimension_semantics = [#tpu.dimension_semantics<arbitrary>], iteration_bounds = array<i64: 25>, scalar_prefetch = 0 : i64, scratch_operands = 0 : i64, tpu.core_type = #tpu.core_type<tc>, window_params = [{transform_indices = @transform_0, window_bounds = array<i64: 64, 4096>}, {transform_indices = @transform_1, window_bounds = array<i64: 64, 4096>}, {transform_indices = @transform_2, window_bounds = array<i64: 2048, 128>}]} {
    %get3A = arith.constant 0 : index
    %get3A_0 = arith.constant 0 : index
    %get3A_1 = vector.load %arg1[%get3A, %get3A_0] : memref<64x4096xf32, #tpu.memory_space<vmem>>, vector<64x4096xf32>
    %get3A_2 = arith.constant 0 : index
    %get3A_3 = arith.constant 0 : index
    %get3A_4 = vector.load %arg2[%get3A_2, %get3A_3] : memref<64x4096xf32, #tpu.memory_space<vmem>>, vector<64x4096xf32>
    %concatenate3A = tpu.concatenate %get3A_1, %get3A_4 in 0 : vector<64x4096xf32>, vector<64x4096xf32> -> vector<128x4096xf32>
    %convert_element_type3A = arith.truncf %concatenate3A : vector<128x4096xf32> to vector<128x4096xbf16>
    %bitcast3A = tpu.bitcast %convert_element_type3A : vector<128x4096xbf16> -> vector<64x4096xf32>
    %transpose3A = tpu.transpose %bitcast3A, [1, 0] : vector<64x4096xf32> -> vector<4096x64xf32>
    %slice3A = vector.extract_strided_slice %transpose3A {offsets = [0, 0], sizes = [2048, 64], strides = [1, 1]} : vector<4096x64xf32> to vector<2048x64xf32>
    %swap3A = arith.constant 0 : index
    %swap3A_5 = arith.constant 0 : index
    %swap3A_6 = vector.load %arg3[%swap3A, %swap3A_5] : memref<2048x128xf32, #tpu.memory_space<vmem>>, vector<2048x64xf32>
    tpu.vector_store %arg3[%swap3A, %swap3A_5], %slice3A {strides = array<i32>} : memref<2048x128xf32, #tpu.memory_space<vmem>>, vector<2048x64xf32>,
    %slice3A_7 = vector.extract_strided_slice %transpose3A {offsets = [2048, 0], sizes = [2048, 64], strides = [1, 1]} : vector<4096x64xf32> to vector<2048x64xf32>
    %swap3A_8 = arith.constant 0 : index
    %swap3A_9 = arith.constant 64 : index
    %swap3A_10 = vector.load %arg3[%swap3A_8, %swap3A_9] : memref<2048x128xf32, #tpu.memory_space<vmem>>, vector<2048x64xf32>
    tpu.vector_store %arg3[%swap3A_8, %swap3A_9], %slice3A_7 {strides = array<i32>} : memref<2048x128xf32, #tpu.memory_space<vmem>>, vector<2048x64xf32>,
    return
  }
  func.func @transform_0(%arg0: i32) -> (i32, i32) {
    %c0_i32 = arith.constant 0 : i32
    %c0_i32_0 = arith.constant 0 : i32
    return %c0_i32, %arg0 : i32, i32
  }
  func.func @transform_1(%arg0: i32) -> (i32, i32) {
    %c0_i32 = arith.constant 0 : i32
    %c0_i32_0 = arith.constant 0 : i32
    return %c0_i32, %arg0 : i32, i32
  }
  func.func @transform_2(%arg0: i32) -> (i32, i32) {
    %c0_i32 = arith.constant 0 : i32
    %c0_i32_0 = arith.constant 0 : i32
    return %arg0, %c0_i32 : i32, i32
  }
}

module attributes {stable_mosaic.version = 14 : i64} {
  func.func @_bce_body(%arg0: memref<128x128xf32, #tpu.memory_space<vmem>>, %arg1: memref<128x128xf32, #tpu.memory_space<vmem>>, %arg2: memref<1x1xf32, #tpu.memory_space<vmem>>) attributes {dimension_semantics = [], scalar_prefetch = 0 : i64, scratch_operands = 0 : i64, tpu.core_type = #tpu.core_type<tc>} {
    %get3A = arith.constant 0 : index
    %get3A_0 = arith.constant 0 : index
    %get3A_1 = vector.load %arg0[%get3A, %get3A_0] : memref<128x128xf32, #tpu.memory_space<vmem>>, vector<128x128xf32>
    %jit3A = arith.constant -2.000000e+01 : f32
    %jit3A_2 = arith.constant 2.000000e+01 : f32
    %max3A = vector.broadcast %jit3A : f32 to vector<128x128xf32>
    %max3A_3 = arith.maximumf %max3A, %get3A_1 : vector<128x128xf32>
    %min3A = vector.broadcast %jit3A_2 : f32 to vector<128x128xf32>
    %min3A_4 = arith.minimumf %min3A, %max3A_3 : vector<128x128xf32>
    %neg3A = arith.constant 0.000000e+00 : f32
    %neg3A_5 = vector.broadcast %neg3A : f32 to vector<128x128xf32>
    %neg3A_6 = arith.subf %neg3A_5, %min3A_4 : vector<128x128xf32>
    %exp3A = math.exp %neg3A_6 : vector<128x128xf32>
    %add3A = arith.constant 1.000000e+00 : f32
    %add3A_7 = vector.broadcast %add3A : f32 to vector<128x128xf32>
    %add3A_8 = arith.addf %add3A_7, %exp3A : vector<128x128xf32>
    %div3A = arith.constant 1.000000e+00 : f32
    %div3A_9 = vector.broadcast %div3A : f32 to vector<128x128xf32>
    %div3A_10 = arith.divf %div3A_9, %add3A_8 : vector<128x128xf32>
    %get3A_11 = arith.constant 0 : index
    %get3A_12 = arith.constant 0 : index
    %get3A_13 = vector.load %arg1[%get3A_11, %get3A_12] : memref<128x128xf32, #tpu.memory_space<vmem>>, vector<128x128xf32>
    %log3A = math.log %div3A_10 : vector<128x128xf32>
    %mul3A = arith.mulf %get3A_13, %log3A : vector<128x128xf32>
    %sub3A = arith.constant 1.000000e+00 : f32
    %sub3A_14 = vector.broadcast %sub3A : f32 to vector<128x128xf32>
    %sub3A_15 = arith.subf %sub3A_14, %get3A_13 : vector<128x128xf32>
    %sub3A_16 = arith.constant 1.000000e+00 : f32
    %sub3A_17 = vector.broadcast %sub3A_16 : f32 to vector<128x128xf32>
    %sub3A_18 = arith.subf %sub3A_17, %div3A_10 : vector<128x128xf32>
    %log3A_19 = math.log %sub3A_18 : vector<128x128xf32>
    %mul3A_20 = arith.mulf %sub3A_15, %log3A_19 : vector<128x128xf32>
    %add3A_21 = arith.addf %mul3A, %mul3A_20 : vector<128x128xf32>
    %reduce_sum3A = vector.shape_cast %add3A_21 : vector<128x128xf32> to vector<1x128x128xf32>
    %reduce_sum3A_22 = arith.constant dense<0.000000e+00> : vector<1xf32>
    %reduce_sum3A_23 = vector.multi_reduction <add>, %reduce_sum3A, %reduce_sum3A_22 [1, 2] : vector<1x128x128xf32> to vector<1xf32>
    %reduce_sum3A_24 = vector.shape_cast %reduce_sum3A_23 : vector<1xf32> to vector<1x1x1xf32>
    %reduce_sum3A_25 = vector.extract %reduce_sum3A_24[0, 0, 0] : f32 from vector<1x1x1xf32>
    %neg3A_26 = arith.constant 0.000000e+00 : f32
    %neg3A_27 = arith.subf %neg3A_26, %reduce_sum3A_25 : f32
    %mul3A_28 = arith.constant 6.10351563E-5 : f32
    %mul3A_29 = arith.mulf %neg3A_27, %mul3A_28 : f32
    %reshape3A = vector.broadcast %mul3A_29 : f32 to vector<1x1xf32>
    %swap3A = arith.constant 0 : index
    %swap3A_30 = arith.constant 0 : index
    %swap3A_31 = vector.load %arg2[%swap3A, %swap3A_30] : memref<1x1xf32, #tpu.memory_space<vmem>>, vector<1x1xf32>
    tpu.vector_store %arg2[%swap3A, %swap3A_30], %reshape3A {strides = array<i32>} : memref<1x1xf32, #tpu.memory_space<vmem>>, vector<1x1xf32>,
    return
  }
}

</mosaic_0001>

<sc_bundles>
// kernel: kernel.5.cloned.1.call-start
scs
__scs_entry_jumppad:
0x0: {  	(pc) =	sbr.rel $0x88, $3  }
0x1: {  	(tag) =	ssettag $0x0;
	lr =	simm.s32 $0x1  }
0x2: {  	[smem:$0x3F9C] =	sst lr;
	_ =	strace $0xD0000000  }
0x3: {  	_ = 	snop  }
0x4: {  	_ = 	snop  }
0x5: {  	_ = 	snop  }
0x6: {  	_ = 	snop  }
0x7: {  	_ = 	snop  }
__scs_overlays_trampoline_lowered:
0x8: {  	[smem:$0x3FAB] =	sst s0  }
0x9: {  	[smem:$0x3FAC] =	sst s1  }
0xa: {  	[smem:$0x3FAD] =	sst s2  }
0xb: {  	[smem:$0x3FAE] =	sst s3  }
0xc: {  	[smem:$0x3FAF] =	sst s4  }
0xd: {  	[smem:$0x3FB0] =	sst s5  }
0xe: {  	[smem:$0x3FB1] =	sst s6  }
0xf: {  	[smem:$0x3FB2] =	sst s7  }
0x10: {  	[smem:$0x3FB3] =	sst s8  }
0x11: {  	[smem:$0x3FB4] =	sst s9;
	s0 =	simm.s32 @!p0 $0x0  }
0x12: {  	s1 =	sld [smem:$0x3F9A];
	s0 =	simm.s32 @p0 $0x1  }
0x13: {  	[smem:$0x3FB5] =	sst s0;
	s0 =	simm.s32 @!p1 $0x0  }
0x14: {  	s2 =	sld [smem:$0x3F99];
	s0 =	simm.s32 @p1 $0x1  }
0x15: {  	[smem:$0x3FB6] =	sst s0;
	s0 =	simm.s32 @!p2 $0x0  }
0x16: {  	s3 =	sld [smem:$0x3FDB];
	s0 =	simm.s32 @p2 $0x1  }
0x17: {  	s4 =	simm.s32 $0x1BF5;
	[smem:$0x3FB8] =	sst s0  }
0x18: {  	s0 =	sld [smem:$0x3F9B];
	_ =	swait.ge [sflag:s4], $0x0  }
0x19: {  	s7 =	sld [smem:$0x3F9C]  }
0x1a: {  	s8 =	sadd.s32 $0xFFFFE003, lr  }
0x1b: {  	s9 =	sadd.s32 $0xFFFFFEF7, lr;
	s5 =	simm.s32 $0xFFFFFFFF;
	p2 =	slt.u32 s8, $0xFFFFF086  }
0x1c: {  	p1 =	slt.u32 s9, $0xF7A;
	s5 =	simm.s32 @!p2 $0x0  }
0x1d: {  	s5 =	simm.s32 @p1 $0x1;
	p0 =	seq.s32 s7, s2  }
0x1e: {  	s7 =	smul.u32 @!p0 $0xF7A, s2;
	p2 =	seq.s32 @!p0 s5, $0x0  }
0x1f: {  	s9 =	smul.u32 $0xF7A, s1;
	s8 =	simm.s32 @!p0 $0x1BF5;
	p2 =	por !p2, p0  }
0x20: {  	[sflag:s8] =	ssyncset.s32 @!p0 $0xFFFFF086;
	s6 =	sadd.s32 @!p0 s3, s7;
	s7 =	simm.s32 @!p0 $0x108  }
0x21: {  	s3 =	sadd.s32 s3, s9;
	s6 =	sadd.s32 @!p0 $0x88, s6;
	s7 =	simm.s32 @p2 $0x1082  }
0x22: {  	[simem:s7], [sflag:s8] =	dma.local @!p0 [hbm:s6], $0xF7A  }
0x23: {  	s9 =	sor.u32 $0xD0000000, s2;
	s6 =	simm.s32 $0x108;
	_ =	swait.ge @!p0 [sflag:s8], $0x0  }
0x24: {  	s3 =	sadd.s32 $0x88, s3;
	s6 =	simm.s32 @!p1 $0x1082;
	[sflag:s4] =	ssyncset.s32 $0xFFFFF086  }
0x25: {  	[simem:s6], [sflag:s4] =	dma.local [hbm:s3], $0xF7A  }
0x26: {  	[smem:$0x3F9C] =	sst s1;
	(tag) =	ssettag s2;
	_ =	strace s9  }
0x27: {  	s1 =	sld [smem:$0x3FAC]  }
0x28: {  	s2 =	sld [smem:$0x3FAD]  }
0x29: {  	s4 =	sld [smem:$0x3FAF]  }
0x2a: {  	p0 =	seq.s32 s5, $0x0;
	s5 =	sld [smem:$0x3FB0]  }
0x2b: {  	s6 =	sld [smem:$0x3FB1]  }
0x2c: {  	s7 =	sld [smem:$0x3FB2]  }
0x2d: {  	s3 =	simm.s32 $0x108;
	s8 =	sld [smem:$0x3FB3]  }
0x2e: {  	s3 =	simm.s32 @!p0 $0x1082;
	s9 =	sld [smem:$0x3FB4]  }
0x2f: {  	lr =	sadd.s32 s0, s3;
	s0 =	sld [smem:$0x3FAB]  }
0x30: {  	s3 =	sld [smem:$0x3FAE]  }
0x31: {  	[smem:$0x3FB7] =	sst s10  }
0x32: {  	s10 =	sld [smem:$0x3FB5];
	_ =	sdelay $0x3  }
0x33: {  	p0 =	seq.s32 s10, $0x1;
	s10 =	sld [smem:$0x3FB7];
	_ =	sdelay $0x3  }
0x34: {  	[smem:$0x3FB7] =	sst s10  }
0x35: {  	s10 =	sld [smem:$0x3FB6];
	_ =	sdelay $0x3  }
0x36: {  	p1 =	seq.s32 s10, $0x1;
	s10 =	sld [smem:$0x3FB7];
	_ =	sdelay $0x3  }
0x37: {  	[smem:$0x3FB7] =	sst s10  }
0x38: {  	s10 =	sld [smem:$0x3FB8]  }
0x39: {  	_ = 	snop;
	(pc) =	sbr.ind lr, $3  }
0x3a: {  	_ = 	snop  }
0x3b: {  	_ = 	snop  }
0x3c: {  	p2 =	seq.s32 s10, $0x1;
	s10 =	sld [smem:$0x3FB7]  }
0x3d: {  	_ =	shalt  }
0x3e: {  	_ =	shalt  }
0x3f: {  	_ =	shalt  }
0x40: {  	_ =	shalt  }
0x41: {  	_ =	shalt  }
0x42: {  	_ =	shalt  }
0x43: {  	_ =	shalt  }
0x44: {  	_ =	shalt  }
0x45: {  	_ =	shalt  }
0x46: {  	_ =	shalt  }
0x47: {  	_ =	shalt  }
0x48: {  	_ =	shalt  }
0x49: {  	_ =	shalt  }
0x4a: {  	_ =	shalt  }
0x4b: {  	_ =	shalt  }
0x4c: {  	_ =	shalt  }
0x4d: {  	_ =	shalt  }
0x4e: {  	_ =	shalt  }
0x4f: {  	_ =	shalt  }
0x50: {  	_ =	shalt  }
0x51: {  	_ =	shalt  }
0x52: {  	_ =	shalt  }
0x53: {  	_ =	shalt  }
0x54: {  	_ =	shalt  }
0x55: {  	_ =	shalt  }
0x56: {  	_ =	shalt  }
0x57: {  	_ =	shalt  }
0x58: {  	_ =	shalt  }
0x59: {  	_ =	shalt  }
0x5a: {  	_ =	shalt  }
0x5b: {  	_ =	shalt  }
0x5c: {  	_ =	shalt  }
0x5d: {  	_ =	shalt  }
0x5e: {  	_ =	shalt  }
0x5f: {  	_ =	shalt  }
0x60: {  	_ =	shalt  }
0x61: {  	_ =	shalt  }
0x62: {  	_ =	shalt  }
0x63: {  	_ =	shalt  }
0x64: {  	_ =	shalt  }
0x65: {  	_ =	shalt  }
0x66: {  	_ =	shalt  }
0x67: {  	_ =	shalt  }
0x68: {  	_ =	shalt  }
0x69: {  	_ =	shalt  }
0x6a: {  	_ =	shalt  }
0x6b: {  	_ =	shalt  }
0x6c: {  	_ =	shalt  }
0x6d: {  	_ =	shalt  }
0x6e: {  	_ =	shalt  }
0x6f: {  	_ =	shalt  }
0x70: {  	_ =	shalt  }
0x71: {  	_ =	shalt  }
0x72: {  	_ =	shalt  }
0x73: {  	_ =	shalt  }
0x74: {  	_ =	shalt  }
0x75: {  	_ =	shalt  }
0x76: {  	_ =	shalt  }
0x77: {  	_ =	shalt  }
0x78: {  	_ =	shalt  }
0x79: {  	_ =	shalt  }
0x7a: {  	_ =	shalt  }
0x7b: {  	_ =	shalt  }
0x7c: {  	_ =	shalt  }
0x7d: {  	_ =	shalt  }
0x7e: {  	_ =	shalt  }
0x7f: {  	_ =	shalt  }
0x80: {  	_ =	shalt  }
0x81: {  	_ =	shalt  }
0x82: {  	_ =	shalt  }
0x83: {  	_ =	shalt  }
0x84: {  	_ =	shalt  }
0x85: {  	_ =	shalt  }
0x86: {  	_ =	shalt  }
0x87: {  	_ =	shalt  }
.Lfunc_end0:
.L_simem_size_0:
called_computation_lowered:
.L_overlay_start_0:
0x88: {  	s2 =	sld [smem:$0x3FD9]  }
0x89: {  	s3 =	sld [smem:$0x3FFE];
	_ =	sdelay $0x1  }
0x8a: {  	s1 =	srdreg.scid  }
0x8b: {  	s0 =	sand.u32 $0x1, s1  }
0x8c: {  	s17 =	sshll.u32 s0, $0xA;
	s2 =	sadd.s32 s3, s2  }
0x8d: {  	s2 =	sadd.s32 s2, s17  }
0x8e: {  	[smem:$0x3FC3] =	sst s2  }
0x8f: {  	_ = 	snop  }
0x90: {  	s2 =	sld [smem:$0x3FC9]  }
0x91: {  	s18 =	sld [smem:$0x3FC8];
	(tm) =	ssettm $0x1  }
0x92: {  	s4 =	sld [smem:$0x3FFB];
	_ =	sdelay $0x3  }
0x93: {  	_ =	strace s4  }
0x94: {  	s4 =	sld [smem:$0x3FFC];
	_ =	sdelay $0x3  }
0x95: {  	_ =	strace s4  }
0x96: {  	s4 =	sld [smem:$0x3FFD];
	_ =	sdelay $0x3  }
0x97: {  	_ =	strace s4  }
0x98: {  	_ =	strace $0x8FFFFFFF  }
0x99: {  	s19 =	sld [smem:$0x3FDB];
	_ =	sdelay $0x1  }
0x9a: {  	s5 =	simm.s32 $_scs_section_size  }
0x9b: {  	s6 =	simm.s32 $_size__tile_overlayer_lowered;
	s7 =	simm.s32 $_tile_overlayer_lowered  }
0x9c: {  	s22 =	simm.s32 $0x1BFF;
	s21 =	sshll.u32 s7, $0x1;
	s4 =	sadd.s32 s5, s19  }
0x9d: {  	s8 =	simm.s32 $0x0;
	s20 =	sshll.u32 s6, $0x1;
	s6 =	sadd.s32 s21, s4  }
0x9e: {  	[timem:s8], [sflag:s22] =	dma.local [hbm:s6], s20  }
0x9f: {  	_ =	swait.ge [sflag:s22], s20  }
0xa0: {  	s5 =	ssub.s32 $0x0, s20;
	[sflag:s22] =	ssyncset.done $0x0  }
0xa1: {  	[sflag:s22] =	ssyncadd.s32 s5;
	_ =	sdelay $0x1  }
0xa2: {  	s23 =	simm.s32 $0x1B8B  }
0xa3: {  	_ =	swait.ge [sflag:s23], $0x1  }
0xa4: {  	[sflag:s23] =	ssyncset.done $0x0  }
0xa5: {  	s25 =	simm.s32 $0x1B8E;
	s24 =	sld [smem:$0x3FFE];
	[sflag:s23] =	ssyncadd.s32 $0xFFFFFFFF  }
0xa6: {  	s26 =	simm.s32 $execute0_lowered;
	[smem:$0x3FD2] =	sst s25  }
0xa7: {  	s6 =	sshll.u32 s26, $0x1;
	_ =	strace $0x80000046;
	[dreg:$0x1] =	wrdreg $0xFFFFFFFF  }
0xa8: {  	s28 =	simm.s32 $_size_execute0_lowered;
	s4 =	sadd.s32 s4, s6;
	[dreg:$0x0] =	wrdreg $0x0  }
0xa9: {  	s6 =	sshll.u32 s28, $0x1;
	[dreg:$0x2] =	wrdreg s4  }
0xaa: {  	[dreg:$0x3] =	wrdreg s6  }
0xab: {  	[dreg:$0x4] =	wrdreg $0xC0  }
0xac: {  	_ =	task [dreg:s8], $0x5FFFF  }
0xad: {  	[dreg:$0x1] =	wrdreg $0xFFFFFFFF  }
0xae: {  	[dreg:$0x0] =	wrdreg $0x60  }
0xaf: {  	[dreg:$0x2] =	wrdreg s2  }
0xb0: {  	[dreg:$0x3] =	wrdreg s18  }
0xb1: {  	[dreg:$0x4] =	wrdreg s24  }
0xb2: {  	[dreg:$0x5] =	wrdreg $0x9  }
0xb3: {  	_ =	task.clear_ibuf [dreg:s8], $0x6FFFF;
	_ =	strace $0x90000046  }
0xb4: {  	s29 =	simm.s32 $0x9;
	_ =	strace $0x80000048  }
0xb5: {  	_ =	swait.ge [sflag:s29], $0x1  }
0xb6: {  	[sflag:s29] =	ssyncadd.s32 $0xFFFFFFFF  }
0xb7: {  	_ =	strace $0x90000048  }
0xb8: {  	_ =	sfence  }
0xb9: {  	s30 =	sld [smem:$0x0];
	_ =	sdelay $0x2  }
0xba: {  	s31 =	sshll.u32 s1, $0xD;
	s1 =	sshrl.u32 s1, $0x2  }
0xbb: {  	s3 =	sand.u32 $0x4000, s31;
	s1 =	sadd.s32 s1, s30  }
0xbc: {  	s0 =	sor.u32 s3, s0;
	s1 =	sshll.u32 s1, $0x11  }
0xbd: {  	s0 =	sor.u32 s1, s0  }
0xbe: {  	s0 =	sadd.s32 $0x8F2B, s0  }
0xbf: {  	[sflag:s0] =	ssyncadd.remote.s32 $0x1  }
0xc0: {  	_ =	sfence.sel $0xFFFF  }
0xc1: {  	[dreg:$0x0] =	wrdreg $0xFFFFFFFF;
	(pc) =	sbr.abs _section_cstart, $3  }
0xc2: {  	[dreg:$0x1] =	wrdreg $0xFFFFFFFF  }
0xc3: {  	_ =	task.clear_ibuf [dreg:s8], $0x2FFFF;
	_ =	strace $0x9FFFFFFF  }
0xc4: {  	(tm) =	ssettm $0x7FFFFFFF  }
0xc5: {  	_ =	shalt  }
tec
execute0_lowered:
.L_overlay_start_1:
0x0: {  	(tag) =	ssettag $0x1  }
0x1: {  	s0 =	rddreg [dreg:$0x0]  }
0x2: {  	s1 =	rddreg [dreg:$0x1]  }
0x3: {  	s4 =	rddreg [dreg:$0x2];
	s3 =	srdreg.scid;
	s2 =	simm.s32 $0x0  }
0x4: {  	s5 =	stileid.u32;
	s9 =	simm.s32 $0x200;
	s10 =	simm.s32 $0x80  }
0x5: {  	s23 =	simm.s32 $0x7400;
	s24 =	simm.s32 $0x1;
	s25 =	simm.s32 $0x8400  }
0x6: {  	s26 =	simm.s32 $0x0;
	s22 =	simm.s32 $0x1;
	s3 =	sand.u32 $0x1, s3  }
0x7: {  	[smem:$0x7FF] =	sst s2;
	s5 =	sshll.u32 s5, $0x7;
	s6 =	sshll.u32 s3, $0x6  }
0x8: {  	_ =	strace $0x80000047;
	s30 =	ssub.s32 $0x2, s3;
	s5 =	sor.u32 s6, s5  }
0x9: {  	s3 =	sadd.s32 $0x800, s4;
	s31 =	sshrl.u32 s30, $0x1;
	s7 =	sadd.s32 s5, s4  }
0xa: {  	v0 =	vimm.s32 $0x0;
	vm0 =	vcmask $0x300;
	s8 =	ssub.s32 s30, s31;
	s4 =	sadd.s32 s0, s5;
	s5 =	sadd.s32 s1, s5  }
0xb: {  	v0 =	vsel vm0, $0x3, v0;
	s6 =	sadd.s32 $0xC8800, s7;
	s7 =	smax.u32 s8, $0x1;
	s8 =	simm.s32 $0x2  }
.LBB2_1:
0xc: {  	[tilespmem:s2], [sflag:$0x2] =	stream.linear.gather [hbm4b:s4+s2], $0x200, $0x38;
	[tilespmem:$0x8600] =	vst v63  }
0xd: {  	_ =	swait.ge [sflag:s8], $0x200  }
0xe: {  	[sflag:s8] =	ssyncset.done $0x0  }
0xf: {  	[sflag:s8] =	ssyncadd.s32 $0xFFFFFE00  }
0x10: {  	[tilespmem:s9], [sflag:$0x2] =	stream.linear.gather [hbm4b:s5+s2], $0x200, $0x38;
	[tilespmem:$0x8600] =	vst v63  }
0x11: {  	_ =	swait.ge [sflag:s8], $0x200  }
0x12: {  	[sflag:s8] =	ssyncset.done $0x0  }
0x13: {  	s0 =	simm.s32 $0x0;
	[sflag:s8] =	ssyncadd.s32 $0xFFFFFE00  }
0x14: {  	v1 =	vld [tilespmem:s0+$0x200]  }
0x15: {  	v2 =	vld [tilespmem:s0+$0x0];
	_ =	sdelay $0x3  }
0x16: {  	v3 =	vshll.u32 v1, $0x1;
	v4 =	vshll.u32 v1, $0x2;
	v1 =	vshrl.u32 v1, $0xA  }
0x17: {  	v6 =	vshrl.u32 v2, $0xA;
	v3 =	vand.u32 $0xFFFFE000, v3;
	v4 =	vand.u32 $0x1FFC, v4  }
0x18: {  	v5 =	vand.u32 $0x2, v1;
	v1 =	vshll.u32 v2, $0x2;
	v3 =	vor.u32 v3, v4  }
0x19: {  	v2 =	vshll.u32 v2, $0x1;
	v1 =	vand.u32 $0x1FFC, v1;
	v4 =	vor.u32 v5, v3  }
0x1a: {  	s11 =	simm.s32 $0x40;
	s1 =	simm.s32 $0x80;
	v3 =	vand.u32 $0xFFFFE000, v2;
	v2 =	vand.u32 $0x2, v6;
	v4 =	vor.u32 $0x1, v4  }
.LBB2_2:
0x1b: {  	p0 =	sne.s32 s1, $0x7C0  }
0x1c: {  	s12 =	sshra.s32 s11, $0x2;
	v1 =	vor.u32 v1, v3;
	[tilespmem:s0+$0x200] =	vst v4;
	s11 =	smov.u32 s1;
	s1 =	sadd.s32 $0x40, s1  }
0x1d: {  	v3 =	vld [tilespmem:s12+$0x200];
	v1 =	vor.u32 v2, v1  }
0x1e: {  	[tilespmem:s0+$0x0] =	vst v1;
	s0 =	smov.u32 s12  }
0x1f: {  	v1 =	vld [tilespmem:s0+$0x0];
	_ =	sdelay $0x2  }
.Ltmp0:
0x20: {  	v2 =	vshll.u32 v3, $0x1;
	v4 =	vshll.u32 v3, $0x2;
	v3 =	vshrl.u32 v3, $0xA;
	(pc) =	sbr.rel @p0 .LBB2_2-.Ltmp0, $4  }
0x21: {  	v2 =	vand.u32 $0xFFFFE000, v2;
	v4 =	vand.u32 $0x1FFC, v4;
	v3 =	vand.u32 $0x2, v3  }
0x22: {  	v5 =	vshll.u32 v1, $0x2;
	v6 =	vshrl.u32 v1, $0xA;
	v2 =	vor.u32 v2, v4  }
0x23: {  	v4 =	vshll.u32 v1, $0x1;
	v1 =	vand.u32 $0x1FFC, v5;
	v5 =	vor.u32 v3, v2  }
0x24: {  	v3 =	vand.u32 $0xFFFFE000, v4;
	v2 =	vand.u32 $0x2, v6;
	v4 =	vor.u32 $0x1, v5  }
0x25: {  	s1 =	sshra.s32 s11, $0x2;
	v1 =	vor.u32 v1, v3;
	[tilespmem:s0+$0x200] =	vst v4  }
0x26: {  	v3 =	vld [tilespmem:s1+$0x200];
	v1 =	vor.u32 v2, v1  }
0x27: {  	[tilespmem:s0+$0x0] =	vst v1  }
0x28: {  	v1 =	vld [tilespmem:s1+$0x0];
	_ =	sdelay $0x2  }
0x29: {  	v2 =	vshll.u32 v3, $0x1  }
0x2a: {  	v4 =	vshll.u32 v3, $0x2;
	v3 =	vshrl.u32 v3, $0xA;
	v2 =	vand.u32 $0xFFFFE000, v2  }
0x2b: {  	v4 =	vand.u32 $0x1FFC, v4;
	v3 =	vand.u32 $0x2, v3;
	v5 =	vshll.u32 v1, $0x2  }
0x2c: {  	v6 =	vshrl.u32 v1, $0xA;
	v2 =	vor.u32 v2, v4;
	v1 =	vshll.u32 v1, $0x1  }
0x2d: {  	v4 =	vand.u32 $0x1FFC, v5;
	v2 =	vor.u32 v3, v2;
	v1 =	vand.u32 $0xFFFFE000, v1  }
0x2e: {  	v3 =	vand.u32 $0x2, v6;
	v2 =	vor.u32 $0x1, v2;
	v1 =	vor.u32 v4, v1  }
0x2f: {  	[tilespmem:s1+$0x200] =	vst v2;
	v1 =	vor.u32 v3, v1  }
0x30: {  	s17 =	simm.s32 $0x400;
	s0 =	simm.s32 $0x0;
	[tilespmem:s1+$0x0] =	vst v1  }
0x31: {  	[tilespmem:s17], [sflag:$0x1] =	stream.indirect.gather [hbm4b:s3+s10], $0x20, s0, s10, $0xb8;
	[tilespmem:$0x8600] =	vst v63  }
0x32: {  	s18 =	simm.s32 $0x4400  }
0x33: {  	[tilespmem:s18], [sflag:$0x1] =	stream.indirect.gather [hbm4b:s3+s10], $0x20, s9, s10, $0xb8;
	[tilespmem:$0x8600] =	vst v63  }
0x34: {  	s19 =	simm.s32 $0x1400  }
0x35: {  	[tilespmem:s19], [sflag:$0x1] =	stream.indirect.gather [hbm4b:s3+s10], $0x20, s10, s10, $0xb8;
	[tilespmem:$0x8600] =	vst v63  }
0x36: {  	s20 =	simm.s32 $0x280;
	s21 =	simm.s32 $0x5400  }
0x37: {  	[tilespmem:s21], [sflag:$0x1] =	stream.indirect.gather [hbm4b:s3+s10], $0x20, s20, s10, $0xb8;
	[tilespmem:$0x8600] =	vst v63  }
0x38: {  	s11 =	simm.s32 $0x100;
	s12 =	simm.s32 $0x2400  }
0x39: {  	[tilespmem:s12], [sflag:$0x1] =	stream.indirect.gather [hbm4b:s3+s10], $0x20, s11, s10, $0xb8;
	[tilespmem:$0x8600] =	vst v63  }
0x3a: {  	s13 =	simm.s32 $0x300;
	s14 =	simm.s32 $0x6400  }
0x3b: {  	[tilespmem:s14], [sflag:$0x1] =	stream.indirect.gather [hbm4b:s3+s10], $0x20, s13, s10, $0xb8;
	[tilespmem:$0x8600] =	vst v63  }
0x3c: {  	s15 =	simm.s32 $0x180;
	s16 =	simm.s32 $0x3400  }
0x3d: {  	[tilespmem:s16], [sflag:$0x1] =	stream.indirect.gather [hbm4b:s3+s10], $0x20, s15, s10, $0xb8;
	[tilespmem:$0x8600] =	vst v63  }
0x3e: {  	s17 =	simm.s32 $0x380  }
0x3f: {  	[tilespmem:s23], [sflag:$0x1] =	stream.indirect.gather [hbm4b:s3+s10], $0x20, s17, s10, $0xb8;
	[tilespmem:$0x8600] =	vst v63  }
0x40: {  	_ =	swait.ge [sflag:s24], $0x1000  }
0x41: {  	[sflag:s24] =	ssyncset.done $0x0  }
0x42: {  	[sflag:s24] =	ssyncadd.s32 $0xFFFFF000  }
0x43: {  	_ =	swait.ge [sflag:s24], $0x1000  }
0x44: {  	[sflag:s24] =	ssyncset.done $0x0  }
0x45: {  	[sflag:s24] =	ssyncadd.s32 $0xFFFFF000  }
0x46: {  	_ =	swait.ge [sflag:s24], $0x1000  }
0x47: {  	[sflag:s24] =	ssyncset.done $0x0  }
0x48: {  	[sflag:s24] =	ssyncadd.s32 $0xFFFFF000  }
0x49: {  	_ =	swait.ge [sflag:s24], $0x1000  }
0x4a: {  	[sflag:s24] =	ssyncset.done $0x0  }
0x4b: {  	[sflag:s24] =	ssyncadd.s32 $0xFFFFF000  }
0x4c: {  	_ =	swait.ge [sflag:s24], $0x1000  }
0x4d: {  	[sflag:s24] =	ssyncset.done $0x0  }
0x4e: {  	[sflag:s24] =	ssyncadd.s32 $0xFFFFF000  }
0x4f: {  	_ =	swait.ge [sflag:s24], $0x1000  }
0x50: {  	[sflag:s24] =	ssyncset.done $0x0  }
0x51: {  	[sflag:s24] =	ssyncadd.s32 $0xFFFFF000  }
0x52: {  	_ =	swait.ge [sflag:s24], $0x1000  }
0x53: {  	[sflag:s24] =	ssyncset.done $0x0  }
0x54: {  	[sflag:s24] =	ssyncadd.s32 $0xFFFFF000  }
0x55: {  	_ =	swait.ge [sflag:s24], $0x1000  }
0x56: {  	[sflag:s24] =	ssyncset.done $0x0  }
0x57: {  	s18 =	simm.s32 $0x480;
	[sflag:s24] =	ssyncadd.s32 $0xFFFFF000  }
0x58: {  	s19 =	simm.s32 $0x4480;
	v1 =	vld [tilespmem:s18+$0x60]  }
0x59: {  	v2 =	vld [tilespmem:s19+$0x60]  }
0x5a: {  	v3 =	vld [tilespmem:s18+$0x70]  }
0x5b: {  	v4 =	vld [tilespmem:s19+$0x70]  }
0x5c: {  	v7 =	vld [tilespmem:s19+$0xFFFFFF90]  }
0x5d: {  	v8 =	vld [tilespmem:s18+$0xFFFFFFA0]  }
0x5e: {  	v11 =	vld [tilespmem:s19+$0xFFFFFFA0]  }
0x5f: {  	v13 =	vld [tilespmem:s18+$0xFFFFFFB0]  }
0x60: {  	v18 =	vld [tilespmem:s18+$0xFFFFFFD0]  }
0x61: {  	v23 =	vld [tilespmem:s18+$0xFFFFFFE0]  }
0x62: {  	v24 =	vld [tilespmem:s19+$0xFFFFFFE0]  }
0x63: {  	v27 =	vld [tilespmem:s18+$0xFFFFFFF0]  }
0x64: {  	v28 =	vld [tilespmem:s19+$0xFFFFFFF0]  }
0x65: {  	v30 =	vld [tilespmem:s19+$0x0]  }
0x66: {  	v32 =	vld [tilespmem:s19+$0x10];
	v9 =	vunpack.i.u.bf16.f32 v1;
	v1 =	vunpack.i.l.bf16.f32 v1;
	v10 =	vunpack.i.u.bf16.f32 v2  }
0x67: {  	v33 =	vld [tilespmem:s18+$0x20];
	v2 =	vunpack.i.l.bf16.f32 v2;
	v12 =	vunpack.i.u.bf16.f32 v3;
	v3 =	vunpack.i.l.bf16.f32 v3  }
0x68: {  	v34 =	vld [tilespmem:s19+$0x20];
	v14 =	vunpack.i.u.bf16.f32 v4;
	v16 =	vunpack.i.u.bf16.f32 v7;
	v7 =	vunpack.i.l.bf16.f32 v7  }
0x69: {  	v35 =	vld [tilespmem:s18+$0x30];
	v20 =	vunpack.i.u.bf16.f32 v8;
	v8 =	vunpack.i.l.bf16.f32 v8;
	v22 =	vunpack.i.u.bf16.f32 v11  }
0x6a: {  	v36 =	vld [tilespmem:s19+$0x30];
	v11 =	vunpack.i.l.bf16.f32 v11;
	v52 =	vunpack.i.u.bf16.f32 v13;
	v13 =	vunpack.i.l.bf16.f32 v13  }
0x6b: {  	v37 =	vld [tilespmem:s18+$0x40];
	v53 =	vunpack.i.u.bf16.f32 v18;
	v18 =	vunpack.i.l.bf16.f32 v18;
	v31 =	vunpack.i.u.bf16.f32 v23  }
0x6c: {  	v39 =	vld [tilespmem:s19+$0x40];
	v54 =	vunpack.i.u.bf16.f32 v24;
	v55 =	vunpack.i.u.bf16.f32 v27;
	v27 =	vunpack.i.l.bf16.f32 v27  }
0x6d: {  	v40 =	vld [tilespmem:s18+$0x50];
	v56 =	vunpack.i.u.bf16.f32 v28;
	v28 =	vunpack.i.l.bf16.f32 v28;
	v57 =	vunpack.i.u.bf16.f32 v30  }
0x6e: {  	v59 =	vld [tilespmem:s18+$0xFFFFFF80];
	v30 =	vunpack.i.l.bf16.f32 v30;
	v38 =	vunpack.i.u.bf16.f32 v32;
	v32 =	vunpack.i.l.bf16.f32 v32  }
0x6f: {  	v58 =	vunpack.i.u.bf16.f32 v33;
	v33 =	vunpack.i.l.bf16.f32 v33;
	v41 =	vunpack.i.u.bf16.f32 v34  }
0x70: {  	v5 =	vld [tilespmem:s19+$0xFFFFFF80];
	v34 =	vunpack.i.l.bf16.f32 v34;
	v42 =	vunpack.i.u.bf16.f32 v35;
	v35 =	vunpack.i.l.bf16.f32 v35  }
0x71: {  	v6 =	vld [tilespmem:s18+$0xFFFFFF90];
	v60 =	vunpack.i.u.bf16.f32 v36;
	v36 =	vunpack.i.l.bf16.f32 v36;
	v43 =	vunpack.i.u.bf16.f32 v37  }
0x72: {  	v37 =	vunpack.i.l.bf16.f32 v37;
	v61 =	vunpack.i.u.bf16.f32 v39;
	v39 =	vunpack.i.l.bf16.f32 v39  }
0x73: {  	v21 =	vld [tilespmem:s19+$0xFFFFFFD0];
	v62 =	vunpack.i.u.bf16.f32 v40;
	v63 =	vunpack.i.l.bf16.f32 v59;
	v44 =	vunpack.i.l.bf16.f32 v40  }
0x74: {  	v1 =	vmul.f32 v2, v1;
	v2 =	vunpack.i.l.bf16.f32 v4;
	v9 =	vmul.f32 v10, v9  }
0x75: {  	v15 =	vld [tilespmem:s19+$0xFFFFFFC0];
	v10 =	vunpack.i.u.bf16.f32 v5;
	v12 =	vmul.f32 v14, v12;
	v5 =	vunpack.i.l.bf16.f32 v5  }
0x76: {  	v14 =	vunpack.i.u.bf16.f32 v6;
	v8 =	vmul.f32 v11, v8;
	v20 =	vmul.f32 v22, v20  }
0x77: {  	v6 =	vunpack.i.l.bf16.f32 v6;
	v27 =	vmul.f32 v28, v27;
	v22 =	vmul.f32 v56, v55  }
0x78: {  	v11 =	vunpack.i.u.bf16.f32 v21;
	v46 =	vmul.f32 v34, v33;
	v48 =	vmul.f32 v36, v35  }
0x79: {  	v21 =	vunpack.i.l.bf16.f32 v21;
	v49 =	vmul.f32 v39, v37;
	v2 =	vmul.f32 v2, v3  }
0x7a: {  	v6 =	vmul.f32 v7, v6;
	v7 =	vunpack.i.u.bf16.f32 v15;
	v14 =	vmul.f32 v16, v14  }
0x7b: {  	v15 =	vunpack.i.l.bf16.f32 v15;
	v18 =	vmul.f32 v21, v18;
	v11 =	vmul.f32 v11, v53  }
0x7c: {  	v21 =	vunpack.i.u.bf16.f32 v59;
	v5 =	vmul.f32 v5, v63;
	v16 =	vmul.f32 v60, v42  }
0x7d: {  	v17 =	vadd.f32 v1, v9;
	v1 =	vmax.f32 v1, v9;
	v10 =	vmul.f32 v10, v21  }
0x7e: {  	v4 =	vld [tilespmem:s19+$0xFFFFFFB0];
	v51 =	vadd.f32 v8, v20;
	v56 =	vadd.f32 v27, v22;
	v8 =	vmax.f32 v8, v20  }
0x7f: {  	v19 =	vadd.f32 v2, v12;
	v2 =	vmax.f32 v2, v12;
	v12 =	vunpack.i.l.bf16.f32 v23  }
0x80: {  	v3 =	vld [tilespmem:s18+$0xFFFFFFC0];
	v23 =	vmul.f32 v54, v31;
	v47 =	vadd.f32 v6, v14;
	v31 =	vmul.f32 v61, v43  }
0x81: {  	v29 =	vld [tilespmem:s18+$0x0];
	v54 =	vadd.f32 v18, v11;
	v6 =	vmax.f32 v6, v14;
	v14 =	vadd.f32 v48, v16  }
0x82: {  	v9 =	vld [tilespmem:s18+$0x10];
	v1 =	vmax.f32 v1, v2;
	v2 =	vunpack.i.l.bf16.f32 v24;
	v50 =	vadd.f32 v5, v10  }
0x83: {  	v5 =	vmax.f32 v5, v10;
	v17 =	vadd.f32 v19, v17;
	v25 =	vunpack.i.u.bf16.f32 v4  }
0x84: {  	v4 =	vunpack.i.l.bf16.f32 v4;
	v2 =	vmul.f32 v2, v12;
	v60 =	vadd.f32 v49, v31  }
0x85: {  	v26 =	vunpack.i.u.bf16.f32 v3;
	v3 =	vunpack.i.l.bf16.f32 v3;
	v4 =	vmul.f32 v4, v13  }
0x86: {  	v13 =	vunpack.i.u.bf16.f32 v29;
	v29 =	vunpack.i.l.bf16.f32 v29;
	v19 =	vmul.f32 v25, v52  }
0x87: {  	v3 =	vmul.f32 v15, v3;
	v15 =	vunpack.i.u.bf16.f32 v9;
	v7 =	vmul.f32 v7, v26  }
0x88: {  	v12 =	vld [tilespmem:s19+$0x50];
	v9 =	vunpack.i.l.bf16.f32 v9;
	v29 =	vmul.f32 v30, v29;
	v13 =	vmul.f32 v57, v13  }
0x89: {  	s1 =	simm.s32 $0x580;
	v26 =	vmul.f32 v41, v58;
	v55 =	vadd.f32 v2, v23;
	v2 =	vmax.f32 v2, v23  }
0x8a: {  	v34 =	vld [tilespmem:s1+$0x70];
	v9 =	vmul.f32 v32, v9;
	v15 =	vmul.f32 v38, v15;
	v52 =	vadd.f32 v4, v19  }
0x8b: {  	s28 =	simm.s32 $0x4580;
	v59 =	vld [tilespmem:s1+$0x60];
	(xrf0) =	vmax.scan.msk.f32 $0xffff, v1;
	v1 =	vmax.f32 v4, v19;
	v53 =	vadd.f32 v3, v7;
	v57 =	vadd.f32 v29, v13  }
0x8c: {  	v61 =	vld [tilespmem:s28+$0x60];
	v58 =	vadd.f32 v46, v26;
	v3 =	vmax.f32 v3, v7;
	v7 =	vmax.f32 v18, v11  }
0x8d: {  	v11 =	vadd.f32 v56, v55;
	v1 =	vmax.f32 v8, v1;
	v55 =	vld [tilespmem:s28+$0xFFFFFFC0];
	v45 =	vunpack.i.u.bf16.f32 v12  }
0x8e: {  	v56 =	vld [tilespmem:s1+$0xFFFFFFD0];
	v12 =	vunpack.i.l.bf16.f32 v12;
	v10 =	vadd.f32 v9, v15;
	v4 =	vadd.f32 v52, v51  }
0x8f: {  	v51 =	vld [tilespmem:s28+$0xFFFFFFB0];
	v12 =	vmul.f32 v12, v44;
	v21 =	vmul.f32 v45, v62;
	v62 =	vadd.f32 v47, v50  }
0x90: {  	(xrf2) =	vadd.scan.msk.f32 $0xffff, v17;
	v8 =	vunpack.i.l.bf16.f32 v34;
	v3 =	vmax.f32 v3, v7;
	v37 =	vadd.f32 v54, v53;
	v44 =	vld [tilespmem:s28+$0x70]  }
0x91: {  	v7 =	vunpack.i.l.bf16.f32 v61;
	v47 =	vld [tilespmem:s1+$0xFFFFFFA0];
	v10 =	vadd.f32 v10, v57;
	v63 =	vadd.f32 v12, v21;
	(xrf2) =	vadd.scan.msk.f32 $0xffff, v62  }
0x92: {  	v50 =	vld [tilespmem:s1+$0xFFFFFFB0];
	(xrf2) =	vadd.scan.msk.f32 $0xffff, v4;
	v4 =	vmax.f32 v5, v6;
	v5 =	vunpack.i.l.bf16.f32 v59;
	v6 =	vunpack.i.u.bf16.f32 v61  }
0x93: {  	v54 =	vld [tilespmem:s1+$0xFFFFFFC0];
	v36 =	vunpack.i.u.bf16.f32 v55;
	v24 =	vunpack.i.l.bf16.f32 v56;
	(xrf0) =	vmax.scan.msk.f32 $0xffff, v4;
	v4 =	vunpack.i.u.bf16.f32 v59  }
0x94: {  	(xrf2) =	vadd.scan.msk.f32 $0xffff, v37;
	v5 =	vmul.f32 v7, v5;
	v7 =	vmax.f32 v27, v22;
	v18 =	vunpack.i.l.bf16.f32 v51  }
0x95: {  	(xrf0) =	vmax.scan.msk.f32 $0xffff, v1;
	v1 =	vunpack.i.u.bf16.f32 v34;
	v45 =	vunpack.i.u.bf16.f32 v44;
	v4 =	vmul.f32 v6, v4  }
0x96: {  	(xrf2) =	vadd.scan.msk.f32 $0xffff, v11;
	v6 =	vunpack.i.l.bf16.f32 v44;
	v11 =	vmax.f32 v29, v13;
	v2 =	vmax.f32 v2, v7  }
0x97: {  	v7 =	vmax.f32 v9, v15;
	v17 =	vunpack.i.l.bf16.f32 v47;
	v20 =	vunpack.i.l.bf16.f32 v50  }
0x98: {  	v61 =	vld [tilespmem:s1+$0xFFFFFFE0];
	v35 =	vunpack.i.u.bf16.f32 v54;
	v23 =	vunpack.i.l.bf16.f32 v54;
	(xrf0) =	vmax.scan.msk.f32 $0xffff, v3;
	v3 =	vmul.f32 v6, v8  }
0x99: {  	v1 =	vmul.f32 v45, v1;
	v8 =	vadd.f32 v14, v58;
	v14 =	vadd.f32 v63, v60  }
0x9a: {  	v59 =	vld [tilespmem:s28+$0xFFFFFFD0];
	v13, _, _ =	vpop (xrf2);
	v7 =	vmax.f32 v11, v7;
	v60 =	vunpack.i.u.bf16.f32 v47;
	v63 =	vunpack.i.u.bf16.f32 v50  }
0x9b: {  	(xrf2) =	vadd.scan.msk.f32 $0xffff, v10;
	v18 =	vmul.f32 v18, v20;
	v35 =	vmul.f32 v36, v35;
	(v2sf) =	vpush v13, $0xF  }
0x9c: {  	v15 =	vld [tilespmem:s1+$0xFFFFFF90];
	v6, _, _ =	vpop (xrf0);
	(xrf0) =	vmax.scan.msk.f32 $0xffff, v2;
	v2 =	vadd.f32 v5, v4;
	v10 =	vadd.f32 v3, v1;
	v4 =	vmax.f32 v5, v4  }
0x9d: {  	v1 =	vmax.f32 v3, v1;
	v5 =	vmov s0;
	v29 =	vunpack.i.l.bf16.f32 v61  }
0x9e: {  	v47 =	vld [tilespmem:s28+$0xFFFFFFE0];
	(v2sf) =	vpush v6, $0xF;
	v1 =	vmax.f32 v4, v1;
	v5 =	vshrl.u32 v5, $0x3  }
0x9f: {  	v50 =	vld [tilespmem:s28+$0xFFFFFFF0];
	(xrf2) =	vadd.scan.msk.f32 $0xffff, v8;
	v54 =	vunpack.i.u.bf16.f32 v59;
	v27 =	vunpack.i.l.bf16.f32 v59;
	v2 =	vadd.f32 v10, v2  }
0xa0: {  	v9, _, _ =	vpop (xrf0);
	(xrf0) =	vmax.scan.msk.f32 $0xffff, v7;
	v7 =	vmax.f32 v46, v26;
	v10 =	vmax.f32 v48, v16;
	v5 =	vshll.u32 v5, v0  }
0xa1: {  	v57 =	vunpack.i.u.bf16.f32 v15;
	v15 =	vunpack.i.l.bf16.f32 v15;
	v24 =	vmul.f32 v27, v24;
	v8, _, _ =	vpop (xrf0)  }
0xa2: {  	v46 =	vld [tilespmem:s28+$0xFFFFFF90];
	v7 =	vmax.f32 v7, v10;
	v10 =	vmax.f32 v12, v21;
	v21 =	vunpack.i.l.bf16.f32 v55;
	v6, _, _ =	vpop (xrf2);
	(xrf2) =	vadd.scan.msk.f32 $0xffff, v14  }
0xa3: {  	v55 =	vunpack.i.u.bf16.f32 v61;
	v32 =	vunpack.i.l.bf16.f32 v47;
	(v2sf) =	vpush v6, $0xF;
	v6, _, _ =	vpop (xrf2);
	(xrf2) =	vadd.scan.msk.f32 $0xffff, v2  }
0xa4: {  	v44 =	vunpack.i.u.bf16.f32 v50;
	v21 =	vmul.f32 v21, v23;
	v2, _, _ =	vpop (xrf2);
	(v2sf) =	vpush v9, $0xF  }
0xa5: {  	s0 =	simm.s32 $0x3;
	v29 =	vmul.f32 v32, v29;
	v9 =	vmax.f32 v49, v31;
	(v2sf) =	vpush v6, $0xF;
	v6, _, _ =	vpop (xrf0);
	(xrf0) =	vmax.scan.msk.f32 $0xffff, v7  }
0xa6: {  	v14 =	vld [tilespmem:s28+$0xFFFFFF80];
	v7, _, _ =	vpop (xrf2);
	v9 =	vmax.f32 v9, v10;
	v10 =	vmov s0;
	(v2sf) =	vpush v8, $0xF  }
0xa7: {  	v58 =	vunpack.i.u.bf16.f32 v46;
	v16 =	vunpack.i.l.bf16.f32 v46;
	v3, _, _ =	vpop (xrf2);
	(v2sf) =	vpush v2, $0xF  }
0xa8: {  	v49 =	vld [tilespmem:s28+$0xFFFFFFA0];
	v48 =	vshrl.u32 v10, $0x3;
	v10 =	vbroadcast v5, $0x0;
	v2, _, _ =	vpop (xrf0);
	(xrf0) =	vmax.scan.msk.f32 $0xffff, v9;
	(v2sf) =	vpush v6, $0xF  }
0xa9: {  	v15 =	vmul.f32 v16, v15;
	v25 =	vmul.f32 v58, v57;
	v4, _, _ =	vpop (xrf0);
	(xrf0) =	vmax.scan.msk.f32 $0xffff, v1;
	(v2sf) =	vpush v7, $0xF  }
0xaa: {  	v46 =	vld [tilespmem:s1+$0x30];
	v57 =	vunpack.i.u.bf16.f32 v47;
	v16 =	vunpack.i.l.bf16.f32 v50;
	(v2sf) =	vpush v2, $0xF;
	v2, _, _ =	vpop (xrf2)  }
0xab: {  	v58 =	vld [tilespmem:s28+$0x10];
	v22 =	vunpack.i.u.bf16.f32 v14;
	v14 =	vunpack.i.l.bf16.f32 v14;
	(v2sf) =	vpush v3, $0xF;
	v1, _, _ =	vpop (xrf0)  }
0xac: {  	v47 =	vld [tilespmem:s28+$0x30];
	v39 =	vmul.f32 v57, v55;
	v6 =	vmov s22;
	(v2sf) =	vpush v4, $0xF;
	v3, _, _ =	vpop (xrf2)  }
0xad: {  	v6 =	vshrl.u32 v6, $0x3;
	v62 =	vunpack.i.u.bf16.f32 v49;
	(v2sf) =	vpush v2, $0xF;
	v4, _, _ =	vpop (xrf2)  }
0xae: {  	v19 =	vunpack.i.l.bf16.f32 v49;
	v49 =	vld [tilespmem:s1+$0xFFFFFFF0];
	v5 =	vshll.u32 v6, v0;
	v2, _, _ =	vpop (xrf0);
	(v2sf) =	vpush v4, $0xF  }
0xaf: {  	v17 =	vmul.f32 v19, v17;
	v28 =	vmul.f32 v62, v60;
	v60 =	vld [tilespmem:s1+$0x20];
	v55 =	vunpack.i.u.bf16.f32 v46;
	v4, _, _ =	vpop (xrf0)  }
0xb0: {  	v46 =	vunpack.i.l.bf16.f32 v46;
	v5 =	vadd.s32 $0x1, v5;
	s20 =	spop (v2sf);
	(v2sf) =	vpush v4, $0xF  }
0xb1: {  	v50 =	vld [tilespmem:s1+$0x40];
	v42 =	vunpack.i.l.bf16.f32 v58;
	v57 =	vunpack.i.u.bf16.f32 v47;
	v47 =	vunpack.i.l.bf16.f32 v47;
	s20 =	smul.f32 $1.562500000e-02, s20;
	s17 =	spop (v2sf)  }
0xb2: {  	v38 =	vmul.f32 v47, v46;
	v41 =	vmul.f32 v57, v55;
	v55 =	vadd.f32 v21, v35;
	s18 =	spop (v2sf)  }
0xb3: {  	s21 =	simm.s32 $0x7;
	v57 =	vadd.f32 v29, v39;
	v21 =	vmax.f32 v21, v35;
	v59 =	vunpack.i.u.bf16.f32 v49;
	s17 =	ssub.f32 s20, s17;
	s19 =	spop (v2sf)  }
0xb4: {  	v34 =	vunpack.i.l.bf16.f32 v49;
	v4 =	vmov s21;
	v36 =	vunpack.i.u.bf16.f32 v60;
	s16 =	spop (v2sf)  }
0xb5: {  	v30 =	vunpack.i.l.bf16.f32 v60;
	v16 =	vmul.f32 v16, v34;
	v8 =	vmov s17;
	s17 =	simm.s32 $0x2;
	s13 =	spop (v2sf)  }
0xb6: {  	v49 =	vld [tilespmem:s1+$0xFFFFFF80];
	v43 =	vmul.f32 v44, v59;
	v59 =	vunpack.i.u.bf16.f32 v50;
	v9 =	vmov s17;
	s15 =	spop (v2sf)  }
0xb7: {  	v50 =	vunpack.i.l.bf16.f32 v50;
	v4 =	vshrl.u32 v4, $0x3;
	v9 =	vshrl.u32 v9, $0x3;
	s31 =	spop (v2sf)  }
0xb8: {  	v12 =	vshll.u32 v4, v0;
	v6 =	vshll.u32 v9, v0;
	v9 =	vshll.u32 v48, v0;
	s14 =	spop (v2sf)  }
0xb9: {  	v48 =	vunpack.i.u.bf16.f32 v51;
	v51 =	vld [tilespmem:s1+$0x0];
	v6 =	vadd.s32 $0x2, v6;
	v53 =	vadd.s32 $0x3, v9;
	s30 =	spop (v2sf)  }
0xba: {  	v12 =	vadd.s32 $0x7, v12;
	v9 =	vbroadcast v6, $0x0;
	v6 =	vbroadcast v53, $0x0;
	v53 =	vld [tilespmem:s28+$0x0];
	s12 =	spop (v2sf)  }
0xbb: {  	v45 =	vld [tilespmem:s28+$0x20];
	v31 =	vmul.f32 v48, v63;
	v48 =	vunpack.i.u.bf16.f32 v58;
	v58 =	vunpack.i.l.bf16.f32 v49;
	s11 =	spop (v2sf)  }
0xbc: {  	v12 =	vbroadcast v12, $0x0;
	v49 =	vunpack.i.u.bf16.f32 v49;
	v14 =	vmul.f32 v14, v58;
	s29 =	spop (v2sf)  }
0xbd: {  	v22 =	vmul.f32 v22, v49;
	v58 =	vadd.f32 v16, v43;
	v49 =	vmax.f32 v29, v39;
	s20 =	spop (v2sf)  }
0xbe: {  	v16 =	vmax.f32 v16, v43;
	v61 =	vunpack.i.u.bf16.f32 v51;
	v26 =	vunpack.i.l.bf16.f32 v51;
	s20 =	smul.f32 $1.562500000e-02, s20  }
0xbf: {  	(v2sf) =	vpush v3, $0xF;
	v62 =	vunpack.i.u.bf16.f32 v53;
	v19 =	vunpack.i.l.bf16.f32 v53;
	s21 =	spop (v2sf)  }
0xc0: {  	v53 =	vunpack.i.u.bf16.f32 v45;
	v45 =	vunpack.i.l.bf16.f32 v45;
	(v2sf) =	vpush v1, $0xF;
	s17 =	ssub.f32 s20, s21;
	s21 =	simm.s32 $0x4  }
0xc1: {  	s18 =	smul.f32 $1.562500000e-02, s18;
	v1 =	vmax.f32 v49, v16;
	v19 =	vmul.f32 v19, v26;
	v11 =	vmov s21  }
0xc2: {  	v20 =	vmul.f32 v62, v61;
	v30 =	vmul.f32 v45, v30;
	s21 =	simm.s32 $0xF;
	v11 =	vshrl.u32 v11, $0x3  }
0xc3: {  	v36 =	vmul.f32 v53, v36;
	s20 =	ssub.f32 s18, s19;
	s19 =	smul.f32 $1.562500000e-02, s16;
	v13 =	vmov s21;
	v52 =	vshll.u32 v11, v0  }
0xc4: {  	s21 =	smul.f32 $1.562500000e-02, s14;
	v11 =	vbroadcast v5, $0x0;
	v5 =	vadd.s32 $0x4, v52;
	v52 =	vunpack.i.u.bf16.f32 v56;
	v56 =	vld [tilespmem:s1+$0x10]  }
0xc5: {  	v4 =	vmov s20;
	s20 =	smul.f32 $1.562500000e-02, s15;
	s0 =	ssub.f32 s19, s13;
	v13 =	vshrl.u32 v13, $0x3;
	v27 =	vmul.f32 v54, v52;
	v52 =	vld [tilespmem:s28+$0x40]  }
0xc6: {  	v53 =	vadd.f32 v17, v28;
	v17 =	vmax.f32 v17, v28;
	v13 =	vshll.u32 v13, v0;
	s13 =	ssub.f32 s21, s30  }
0xc7: {  	(v2sf) =	vpush v2, $0xF;
	v51 =	vmax.f32 v30, v36;
	v54 =	vld [tilespmem:s1+$0x50];
	v13 =	vadd.s32 $0x7, v13;
	s1 =	ssub.f32 s20, s31  }
0xc8: {  	v7 =	vmov s17;
	v5 =	vbroadcast v5, $0x0;
	v13 =	vbroadcast v13, $0x0  }
0xc9: {  	[tilespmem:v12+s25+$0x0] =	vst.idx.msk $0x1, v8;
	v12 =	vmov s13;
	v8 =	vmov s1;
	v63 =	vunpack.i.u.bf16.f32 v56  }
0xca: {  	v40 =	vunpack.i.l.bf16.f32 v56;
	v56 =	vld [tilespmem:s28+$0x50];
	v60 =	vunpack.i.u.bf16.f32 v52;
	v37 =	vunpack.i.l.bf16.f32 v52  }
0xcb: {  	v23 =	vmul.f32 v48, v63;
	v63 =	vadd.f32 v15, v25;
	v52 =	vadd.f32 v14, v22  }
0xcc: {  	s12 =	smul.f32 $1.562500000e-02, s12;
	[tilespmem:v10+s25+$0x0] =	vst.idx.msk $0x1, v4;
	v61 =	vunpack.i.u.bf16.f32 v54;
	v32 =	vunpack.i.l.bf16.f32 v54;
	v40 =	vmul.f32 v42, v40  }
0xcd: {  	v54 =	vadd.f32 v18, v31;
	v14 =	vmax.f32 v14, v22;
	v44 =	vadd.f32 v63, v52  }
0xce: {  	s11 =	ssub.f32 s12, s11;
	s12 =	simm.s32 $0x9;
	v15 =	vmax.f32 v15, v25;
	v18 =	vmax.f32 v18, v31;
	v22 =	vadd.f32 v58, v57  }
0xcf: {  	v58 =	vmov s12;
	v37 =	vmul.f32 v37, v50;
	v34 =	vunpack.i.l.bf16.f32 v56;
	(xrf2) =	vadd.scan.msk.f32 $0xffff, v44  }
0xd0: {  	v26 =	vmul.f32 v60, v59;
	v32 =	vmul.f32 v34, v32;
	v34 =	vadd.f32 v54, v53  }
0xd1: {  	[tilespmem:v9+s25+$0x0] =	vst.idx.msk $0x1, v8;
	v59 =	vadd.f32 v19, v20;
	v62 =	vunpack.i.u.bf16.f32 v56;
	v56 =	vadd.f32 v24, v27  }
0xd2: {  	v19 =	vmax.f32 v19, v20;
	v14 =	vmax.f32 v14, v15;
	v17 =	vmax.f32 v17, v18;
	(xrf2) =	vadd.scan.msk.f32 $0xffff, v34  }
0xd3: {  	v4 =	vshrl.u32 v58, $0x3;
	v60 =	vadd.f32 v40, v23;
	(xrf0) =	vmax.scan.msk.f32 $0xffff, v14;
	v42 =	vadd.f32 v56, v55  }
0xd4: {  	s14 =	simm.s32 $0xB;
	s15 =	simm.s32 $0xC;
	v15 =	vmax.f32 v40, v23;
	v52 =	vmax.f32 v38, v41;
	[tilespmem:v13+s25+$0x0] =	vst.idx.msk $0x1, v7;
	(xrf0) =	vmax.scan.msk.f32 $0xffff, v17  }
0xd5: {  	v7 =	vmov s14;
	v13 =	vmov s15;
	v8 =	vshll.u32 v4, v0;
	(xrf2) =	vadd.scan.msk.f32 $0xffff, v42  }
0xd6: {  	v50 =	vadd.f32 v37, v26;
	v14 =	vmax.f32 v37, v26;
	v15 =	vmax.f32 v19, v15  }
0xd7: {  	v2 =	vmax.f32 v51, v52;
	v33 =	vmul.f32 v62, v61;
	v62 =	vadd.f32 v38, v41  }
0xd8: {  	v7 =	vshrl.u32 v7, $0x3;
	v13 =	vshrl.u32 v13, $0x3;
	v24 =	vmax.f32 v24, v27;
	(xrf2) =	vadd.scan.msk.f32 $0xffff, v22  }
0xd9: {  	s13 =	simm.s32 $0xA;
	v25 =	vadd.f32 v60, v59;
	v61 =	vadd.f32 v30, v36;
	v53 =	vmax.f32 v21, v24;
	v55, _, _ =	vpop (xrf2)  }
0xda: {  	s28 =	simm.s32 $0x8;
	v59 =	vmov s13;
	v7 =	vshll.u32 v7, v0;
	(xrf0) =	vmax.scan.msk.f32 $0xffff, v53;
	v57, _, _ =	vpop (xrf0);
	(v2sf) =	vpush v55, $0xF  }
0xdb: {  	v54 =	vmov s28;
	v28 =	vadd.f32 v62, v61;
	v62, _, _ =	vpop (xrf0);
	(xrf2) =	vadd.scan.msk.f32 $0xffff, v25;
	(v2sf) =	vpush v57, $0xF  }
0xdc: {  	s16 =	simm.s32 $0x5;
	v10 =	vshrl.u32 v59, $0x3;
	v56 =	vmov s11;
	v63 =	vadd.f32 v32, v33;
	(xrf0) =	vmax.scan.msk.f32 $0xffff, v1;
	v60, _, _ =	vpop (xrf2)  }
0xdd: {  	v3 =	vmax.f32 v32, v33;
	v61 =	vmov s16;
	(xrf0) =	vmax.scan.msk.f32 $0xffff, v15;
	(v2sf) =	vpush v60, $0xF  }
0xde: {  	v3 =	vmax.f32 v14, v3;
	v14 =	vmov s0;
	(xrf2) =	vadd.scan.msk.f32 $0xffff, v28;
	(v2sf) =	vpush v62, $0xF  }
0xdf: {  	s17 =	simm.s32 $0x6;
	v16 =	vshrl.u32 v54, $0x3;
	v50 =	vadd.f32 v63, v50;
	[tilespmem:v11+s25+$0x0] =	vst.idx.msk $0x1, v14;
	v14 =	vshrl.u32 v61, $0x3;
	v11, _, _ =	vpop (xrf2)  }
0xe0: {  	[tilespmem:v6+s25+$0x0] =	vst.idx.msk $0x1, v12;
	v63 =	vmov s17;
	v4 =	vshll.u32 v14, v0;
	(v2sf) =	vpush v11, $0xF;
	v11, _, _ =	vpop (xrf0)  }
0xe1: {  	v15 =	vshrl.u32 v63, $0x3;
	v4 =	vadd.s32 $0x5, v4;
	(xrf2) =	vadd.scan.msk.f32 $0xffff, v50;
	(v2sf) =	vpush v11, $0xF  }
0xe2: {  	s30 =	simm.s32 $0x680;
	v6 =	vshll.u32 v10, v0;
	[tilespmem:v5+s25+$0x0] =	vst.idx.msk $0x1, v56;
	v5 =	vbroadcast v4, $0x0;
	v10, _, _ =	vpop (xrf2);
	v11 =	vshll.u32 v15, v0  }
0xe3: {  	s31 =	simm.s32 $0x4680;
	v9 =	vld [tilespmem:s30+$0x60];
	(xrf0) =	vmax.scan.msk.f32 $0xffff, v2;
	v12, _, _ =	vpop (xrf0);
	v15 =	vadd.s32 $0x2, v6;
	(v2sf) =	vpush v10, $0xF;
	v4 =	vadd.s32 $0x6, v11  }
0xe4: {  	s18 =	smul.f32 $1.562500000e-02, s29;
	s19 =	spop (v2sf);
	v6 =	vadd.s32 $0x3, v7;
	v10 =	vld [tilespmem:s31+$0x60];
	v7, _, _ =	vpop (xrf0);
	(xrf0) =	vmax.scan.msk.f32 $0xffff, v3;
	(v2sf) =	vpush v12, $0xF;
	v4 =	vbroadcast v4, $0x0  }
0xe5: {  	s1 =	smul.f32 $1.562500000e-02, s19;
	s20 =	spop (v2sf);
	v16 =	vshll.u32 v16, v0;
	v14 =	vadd.s32 $0x1, v8;
	v8 =	vshll.u32 v13, v0;
	v11 =	vld [tilespmem:s30+$0x70];
	v13, _, _ =	vpop (xrf2)  }
0xe6: {  	s21 =	spop (v2sf);
	s11 =	ssub.f32 s18, s20;
	v1 =	vbroadcast v16, $0x0;
	v8 =	vadd.s32 $0x4, v8;
	v12 =	vld [tilespmem:s31+$0x70];
	(v2sf) =	vpush v13, $0xF  }
0xe7: {  	s29 =	simm.s32 $0x10;
	s1 =	ssub.f32 s1, s21;
	s0 =	simm.s32 $0x18;
	v3 =	vbroadcast v14, $0x0;
	v2 =	vbroadcast v15, $0x0;
	v13 =	vld [tilespmem:s31+$0xFFFFFF80];
	(v2sf) =	vpush v7, $0xF  }
.LBB2_4:
0xe8: {  	p0 =	slt.u32 s0, $0x1F8;
	v14 =	vld [tilespmem:s30+$0xFFFFFF90];
	v7 =	vbroadcast v6, $0x0;
	v6 =	vbroadcast v8, $0x0;
	v8, _, _ =	vpop (xrf2);
	v15 =	vmov s11  }
0xe9: {  	v17 =	vunpack.i.u.bf16.f32 v9;
	v16 =	vld [tilespmem:s31+$0xFFFFFF90];
	s11 =	spop (v2sf);
	(v2sf) =	vpush v8, $0xF;
	v8, _, _ =	vpop (xrf0);
	[tilespmem:v5+s25+$0x0] =	vst.idx.msk $0x1, v15;
	v15 =	vmov s1  }
0xea: {  	v9 =	vunpack.i.l.bf16.f32 v9;
	v19 =	vunpack.i.u.bf16.f32 v10;
	v10 =	vunpack.i.l.bf16.f32 v10;
	v18 =	vld [tilespmem:s30+$0xFFFFFFA0];
	s1 =	smul.f32 $1.562500000e-02, s11;
	s11 =	spop (v2sf);
	v5, _, _ =	vpop (xrf0);
	[tilespmem:v4+s25+$0x0] =	vst.idx.msk $0x1, v15  }
0xeb: {  	v20 =	vunpack.i.u.bf16.f32 v11;
	v11 =	vunpack.i.l.bf16.f32 v11;
	v15 =	vld [tilespmem:s31+$0xFFFFFFA0];
	v21 =	vunpack.i.u.bf16.f32 v12;
	v4, _, _ =	vpop (xrf2)  }
0xec: {  	v23 =	vmul.f32 v10, v9;
	v17 =	vmul.f32 v19, v17;
	v10 =	vunpack.i.l.bf16.f32 v12;
	v22 =	vld [tilespmem:s30+$0xFFFFFFB0];
	s13 =	ssub.f32 s1, s11;
	s1 =	spop (v2sf)  }
0xed: {  	v9 =	vunpack.i.u.bf16.f32 v13;
	v19 =	vmul.f32 v10, v11;
	v20 =	vmul.f32 v21, v20;
	v12 =	vld [tilespmem:s31+$0xFFFFFFB0];
	s1 =	smul.f32 $1.562500000e-02, s1;
	s11 =	spop (v2sf)  }
0xee: {  	v10 =	vunpack.i.l.bf16.f32 v13;
	v13 =	vunpack.i.u.bf16.f32 v14;
	v11 =	vunpack.i.l.bf16.f32 v14;
	v14 =	vld [tilespmem:s30+$0xFFFFFFC0]  }
0xef: {  	v25 =	vadd.f32 v23, v17;
	v21 =	vunpack.i.u.bf16.f32 v16;
	v26 =	vadd.f32 v19, v20;
	v24 =	vld [tilespmem:s31+$0xFFFFFFC0];
	s11 =	ssub.f32 s1, s11;
	s1 =	spop (v2sf)  }
0xf0: {  	v16 =	vunpack.i.l.bf16.f32 v16;
	v27 =	vunpack.i.u.bf16.f32 v18;
	v18 =	vunpack.i.l.bf16.f32 v18;
	v28 =	vld [tilespmem:s30+$0xFFFFFFD0];
	s1 =	smul.f32 $1.562500000e-02, s1;
	s12 =	spop (v2sf)  }
0xf1: {  	v29 =	vunpack.i.u.bf16.f32 v15;
	v15 =	vunpack.i.l.bf16.f32 v15;
	v25 =	vadd.f32 v26, v25;
	v30 =	vld [tilespmem:s31+$0xFFFFFFD0]  }
0xf2: {  	v26 =	vunpack.i.u.bf16.f32 v22;
	v22 =	vunpack.i.l.bf16.f32 v22;
	v31 =	vunpack.i.u.bf16.f32 v12;
	v32 =	vld [tilespmem:s30+$0xFFFFFFE0];
	s12 =	ssub.f32 s1, s12;
	s1 =	spop (v2sf)  }
0xf3: {  	v33 =	vunpack.i.l.bf16.f32 v12;
	v34 =	vunpack.i.u.bf16.f32 v14;
	v14 =	vunpack.i.l.bf16.f32 v14;
	v35 =	vld [tilespmem:s31+$0xFFFFFFE0];
	(xrf2) =	vadd.scan.msk.f32 $0xffff, v25;
	s1 =	smul.f32 $1.562500000e-02, s1;
	s14 =	spop (v2sf)  }
0xf4: {  	v11 =	vmul.f32 v16, v11;
	v16 =	vunpack.i.u.bf16.f32 v24;
	v24 =	vunpack.i.l.bf16.f32 v24;
	v25 =	vld [tilespmem:s30+$0xFFFFFFF0]  }
0xf5: {  	v12 =	vmul.f32 v21, v13;
	v21 =	vunpack.i.u.bf16.f32 v28;
	v28 =	vunpack.i.l.bf16.f32 v28;
	v36 =	vld [tilespmem:s31+$0xFFFFFFF0];
	s14 =	ssub.f32 s1, s14;
	s1 =	spop (v2sf)  }
0xf6: {  	v13 =	vmul.f32 v15, v18;
	v15 =	vunpack.i.u.bf16.f32 v30;
	v18 =	vunpack.i.l.bf16.f32 v30;
	v30 =	vld [tilespmem:s30+$0x0];
	s1 =	smul.f32 $1.562500000e-02, s1;
	s15 =	spop (v2sf)  }
0xf7: {  	v17 =	vmax.f32 v23, v17;
	v19 =	vmax.f32 v19, v20;
	v37 =	vunpack.i.u.bf16.f32 v32;
	v38 =	vld [tilespmem:s31+$0x0]  }
0xf8: {  	v17 =	vmax.f32 v17, v19;
	v20 =	vunpack.i.l.bf16.f32 v32;
	v23 =	vunpack.i.u.bf16.f32 v35;
	v32 =	vld [tilespmem:s30+$0x10];
	s15 =	ssub.f32 s1, s15;
	s1 =	spop (v2sf)  }
0xf9: {  	v19 =	vunpack.i.l.bf16.f32 v35;
	v35 =	vunpack.i.u.bf16.f32 v25;
	v25 =	vunpack.i.l.bf16.f32 v25;
	v39 =	vld [tilespmem:s31+$0x10];
	(xrf0) =	vmax.scan.msk.f32 $0xffff, v17;
	s1 =	smul.f32 $1.562500000e-02, s1  }
0xfa: {  	v17 =	vmul.f32 v29, v27;
	v27 =	vunpack.i.u.bf16.f32 v36;
	v29 =	vunpack.i.l.bf16.f32 v36;
	v36 =	vld [tilespmem:s30+$0x20]  }
0xfb: {  	v22 =	vmul.f32 v33, v22;
	v33 =	vunpack.i.u.bf16.f32 v30;
	v30 =	vunpack.i.l.bf16.f32 v30;
	v40 =	vld [tilespmem:s31+$0x20]  }
0xfc: {  	v26 =	vmul.f32 v31, v26;
	v31 =	vunpack.i.u.bf16.f32 v38;
	v38 =	vunpack.i.l.bf16.f32 v38;
	v41 =	vld [tilespmem:s30+$0x30]  }
0xfd: {  	v14 =	vmul.f32 v24, v14;
	v24 =	vunpack.i.u.bf16.f32 v32;
	v32 =	vunpack.i.l.bf16.f32 v32;
	v42 =	vld [tilespmem:s31+$0x30];
	v43, _, _ =	vpop (xrf2)  }
0xfe: {  	v44 =	vunpack.i.u.bf16.f32 v39;
	v39 =	vunpack.i.l.bf16.f32 v39;
	v45 =	vld [tilespmem:s30+$0x40];
	(v2sf) =	vpush v43, $0xF  }
0xff: {  	v16 =	vmul.f32 v16, v34;
	v34 =	vunpack.i.u.bf16.f32 v36;
	v36 =	vunpack.i.l.bf16.f32 v36;
	v43 =	vld [tilespmem:s31+$0x40];
	v46, _, _ =	vpop (xrf0)  }
0x100: {  	v47 =	vunpack.i.u.bf16.f32 v40;
	v40 =	vunpack.i.l.bf16.f32 v40;
	v48 =	vld [tilespmem:s30+$0x50];
	(v2sf) =	vpush v46, $0xF  }
0x101: {  	v18 =	vmul.f32 v18, v28;
	v28 =	vunpack.i.u.bf16.f32 v41;
	v41 =	vunpack.i.l.bf16.f32 v41;
	v46 =	vld [tilespmem:s31+$0x50]  }
0x102: {  	v15 =	vmul.f32 v15, v21;
	v49 =	vld [tilespmem:s30+$0xFFFFFF80];
	v21 =	vunpack.i.u.bf16.f32 v42;
	v42 =	vunpack.i.l.bf16.f32 v42  }
0x103: {  	v19 =	vmul.f32 v19, v20;
	v20 =	vunpack.i.u.bf16.f32 v45;
	v45 =	vunpack.i.l.bf16.f32 v45  }
0x104: {  	v23 =	vmul.f32 v23, v37;
	v37 =	vunpack.i.u.bf16.f32 v43;
	v43 =	vunpack.i.l.bf16.f32 v43  }
0x105: {  	v25 =	vmul.f32 v29, v25;
	v29 =	vunpack.i.u.bf16.f32 v48;
	v48 =	vunpack.i.l.bf16.f32 v48  }
0x106: {  	v27 =	vmul.f32 v27, v35;
	v35 =	vunpack.i.u.bf16.f32 v46;
	v46 =	vunpack.i.l.bf16.f32 v46  }
0x107: {  	v30 =	vmul.f32 v38, v30;
	v50 =	vunpack.i.u.bf16.f32 v49;
	v49 =	vunpack.i.l.bf16.f32 v49  }
0x108: {  	s16 =	sadd.s32 $0x7, s29;
	v38 =	vadd.f32 v11, v12;
	v10 =	vmul.f32 v10, v49;
	v9 =	vmul.f32 v9, v50  }
0x109: {  	v31 =	vmul.f32 v31, v33;
	v33 =	vmov s16;
	v32 =	vmul.f32 v39, v32  }
0x10a: {  	v33 =	vshrl.u32 v33, $0x3;
	v24 =	vmul.f32 v44, v24;
	v36 =	vmul.f32 v40, v36  }
0x10b: {  	v33 =	vshll.u32 v33, v0;
	v34 =	vmul.f32 v47, v34;
	v39 =	vmul.f32 v42, v41  }
0x10c: {  	v33 =	vadd.s32 $0x7, v33;
	v21 =	vmul.f32 v21, v28;
	v28 =	vmul.f32 v43, v45  }
0x10d: {  	v33 =	vbroadcast v33, $0x0;
	v20 =	vmul.f32 v37, v20;
	v40 =	vadd.f32 v10, v9;
	s16 =	spop (v2sf)  }
0x10e: {  	v37 =	vadd.f32 v13, v17;
	v41 =	vmul.f32 v46, v48;
	v29 =	vmul.f32 v35, v29;
	s16 =	smul.f32 $1.562500000e-02, s16  }
0x10f: {  	v35 =	vadd.f32 v14, v16;
	v9 =	vmax.f32 v10, v9;
	v10 =	vadd.f32 v22, v26;
	s17 =	spop (v2sf)  }
0x110: {  	v11 =	vmax.f32 v11, v12;
	v12 =	vadd.f32 v18, v15;
	v42 =	vadd.f32 v19, v23;
	s16 =	ssub.f32 s16, s17  }
0x111: {  	v13 =	vmax.f32 v13, v17;
	v17 =	vadd.f32 v25, v27;
	v43 =	vadd.f32 v30, v31  }
0x112: {  	v44 =	vadd.f32 v32, v24;
	v45 =	vadd.f32 v36, v34;
	v46 =	vmov s16  }
0x113: {  	v47 =	vadd.f32 v39, v21;
	v48 =	vadd.f32 v28, v20;
	[tilespmem:v33+s25+$0x0] =	vst.idx.msk $0x1, v46;
	v33 =	vmov s13  }
0x114: {  	v22 =	vmax.f32 v22, v26;
	v26 =	vadd.f32 v41, v29;
	v38 =	vadd.f32 v38, v40  }
0x115: {  	v14 =	vmax.f32 v14, v16;
	v12 =	vadd.f32 v12, v35;
	v10 =	vadd.f32 v10, v37  }
0x116: {  	v15 =	vmax.f32 v18, v15;
	v16 =	vadd.f32 v17, v42;
	v17 =	vadd.f32 v44, v43;
	(xrf2) =	vadd.scan.msk.f32 $0xffff, v38  }
0x117: {  	v18 =	vmax.f32 v19, v23;
	v19 =	vadd.f32 v47, v45;
	v23 =	vadd.f32 v26, v48  }
0x118: {  	v24 =	vmax.f32 v32, v24;
	v25 =	vmax.f32 v25, v27;
	v26 =	vmax.f32 v30, v31  }
0x119: {  	v27 =	vmax.f32 v36, v34;
	v21 =	vmax.f32 v39, v21;
	v20 =	vmax.f32 v28, v20;
	(xrf2) =	vadd.scan.msk.f32 $0xffff, v10  }
0x11a: {  	v9 =	vmax.f32 v9, v11;
	v11 =	vmax.f32 v41, v29;
	v10 =	vmax.f32 v13, v22  }
0x11b: {  	v13 =	vmax.f32 v14, v15;
	v14 =	vmax.f32 v18, v25;
	v15 =	vmax.f32 v26, v24;
	(xrf0) =	vmax.scan.msk.f32 $0xffff, v9  }
0x11c: {  	v11 =	vmax.f32 v20, v11;
	v18 =	vmax.f32 v27, v21;
	(xrf2) =	vadd.scan.msk.f32 $0xffff, v12;
	(v2sf) =	vpush v4, $0xF  }
0x11d: {  	v4 =	vmov s12;
	[tilespmem:v1+s25+$0x0] =	vst.idx.msk $0x1, v33;
	v1 =	vmov s11;
	(v2sf) =	vpush v8, $0xF  }
0x11e: {  	v9 =	vmov s15;
	v8 =	vmov s14;
	(xrf0) =	vmax.scan.msk.f32 $0xffff, v10;
	(v2sf) =	vpush v5, $0xF  }
0x11f: {  	v5 =	vmov s29;
	(xrf2) =	vadd.scan.msk.f32 $0xffff, v16;
	[tilespmem:v3+s25+$0x0] =	vst.idx.msk $0x1, v1  }
0x120: {  	s11 =	sadd.s32 $0x1, s29;
	v1 =	vshrl.u32 v5, $0x3;
	v3, _, _ =	vpop (xrf2);
	[tilespmem:v2+s25+$0x0] =	vst.idx.msk $0x1, v4  }
0x121: {  	v2 =	vmov s11;
	s11 =	sadd.s32 $0x2, s29;
	(v2sf) =	vpush v3, $0xF;
	v3, _, _ =	vpop (xrf0);
	(xrf0) =	vmax.scan.msk.f32 $0xffff, v13;
	[tilespmem:v7+s25+$0x0] =	vst.idx.msk $0x1, v8  }
0x122: {  	s13 =	sadd.s32 $0x5, s28;
	s12 =	sadd.s32 $0x4, s29;
	v4 =	vmov s11;
	s11 =	sadd.s32 $0x3, s29;
	(v2sf) =	vpush v3, $0xF;
	(xrf2) =	vadd.scan.msk.f32 $0xffff, v17;
	[tilespmem:v6+s25+$0x0] =	vst.idx.msk $0x1, v9  }
0x123: {  	v5 =	vmov s12;
	v7 =	vmov s13;
	v3 =	vmov s11;
	s11 =	sadd.s32 $0x6, s28;
	s28 =	smov.u32 s29;
	s29 =	smov.u32 s0;
	v6, _, _ =	vpop (xrf2)  }
0x124: {  	v1 =	vshll.u32 v1, v0;
	v8 =	vmov s11;
	(v2sf) =	vpush v6, $0xF;
	v6, _, _ =	vpop (xrf0);
	(xrf0) =	vmax.scan.msk.f32 $0xffff, v14  }
0x125: {  	v2 =	vshrl.u32 v2, $0x3;
	v4 =	vshrl.u32 v4, $0x3;
	(v2sf) =	vpush v6, $0xF;
	(xrf2) =	vadd.scan.msk.f32 $0xffff, v19  }
0x126: {  	v7 =	vshrl.u32 v7, $0x3;
	v3 =	vshrl.u32 v3, $0x3;
	v6 =	vshrl.u32 v5, $0x3;
	v5, _, _ =	vpop (xrf2)  }
0x127: {  	v1 =	vbroadcast v1, $0x0;
	v8 =	vshrl.u32 v8, $0x3;
	(v2sf) =	vpush v5, $0xF;
	v5, _, _ =	vpop (xrf0);
	(xrf0) =	vmax.scan.msk.f32 $0xffff, v15  }
0x128: {  	v2 =	vshll.u32 v2, v0;
	(v2sf) =	vpush v5, $0xF;
	(xrf2) =	vadd.scan.msk.f32 $0xffff, v23;
	v5 =	vshll.u32 v7, v0  }
0x129: {  	s30 =	sadd.s32 $0x100, s30;
	v8 =	vshll.u32 v8, v0;
	v7 =	vshll.u32 v4, v0;
	v4, _, _ =	vpop (xrf2);
	v5 =	vadd.s32 $0x5, v5  }
.Ltmp1:
0x12a: {  	s31 =	sadd.s32 $0x100, s31;
	v8 =	vadd.s32 $0x6, v8;
	v9 =	vld [tilespmem:s30+$0x60];
	(v2sf) =	vpush v4, $0xF;
	v4, _, _ =	vpop (xrf0);
	(xrf0) =	vmax.scan.msk.f32 $0xffff, v18;
	v5 =	vbroadcast v5, $0x0;
	(pc) =	sbr.rel @p0 .LBB2_4-.Ltmp1, $4  }
0x12b: {  	v3 =	vshll.u32 v3, v0;
	v10 =	vld [tilespmem:s31+$0x60];
	(v2sf) =	vpush v4, $0xF;
	(xrf0) =	vmax.scan.msk.f32 $0xffff, v11;
	v4 =	vbroadcast v8, $0x0;
	s11 =	spop (v2sf)  }
0x12c: {  	v2 =	vadd.s32 $0x1, v2;
	v7 =	vadd.s32 $0x2, v7;
	v8 =	vshll.u32 v6, v0;
	v11 =	vld [tilespmem:s30+$0x70];
	v13, _, _ =	vpop (xrf2);
	s12 =	smul.f32 $1.562500000e-02, s11;
	s11 =	spop (v2sf)  }
0x12d: {  	v6 =	vadd.s32 $0x3, v3;
	v8 =	vadd.s32 $0x4, v8;
	v12 =	vld [tilespmem:s31+$0x70];
	(v2sf) =	vpush v13, $0xF;
	v14, _, _ =	vpop (xrf0);
	s11 =	ssub.f32 s1, s11;
	s1 =	spop (v2sf)  }
0x12e: {  	s0 =	sadd.s32 $0x8, s0;
	v3 =	vbroadcast v2, $0x0;
	v2 =	vbroadcast v7, $0x0;
	v13 =	vld [tilespmem:s31+$0xFFFFFF80];
	(v2sf) =	vpush v14, $0xF;
	s1 =	ssub.f32 s12, s1  }
0x12f: {  	v14 =	vld [tilespmem:s30+$0xFFFFFF90]  }
0x130: {  	v15 =	vld [tilespmem:s31+$0xFFFFFF90]  }
0x131: {  	v43 =	vld [tilespmem:s30+$0xFFFFFFA0]  }
0x132: {  	v18 =	vld [tilespmem:s31+$0xFFFFFFA0]  }
0x133: {  	v7 =	vbroadcast v6, $0x0;
	v6 =	vbroadcast v8, $0x0;
	v42, _, _ =	vpop (xrf2);
	v16 =	vunpack.i.u.bf16.f32 v9;
	v21 =	vld [tilespmem:s30+$0xFFFFFFB0]  }
0x134: {  	v44 =	vunpack.i.l.bf16.f32 v9;
	v49 =	vld [tilespmem:s31+$0xFFFFFFB0];
	(v2sf) =	vpush v42, $0xF;
	v17 =	vunpack.i.u.bf16.f32 v10  }
0x135: {  	v52 =	vld [tilespmem:s30+$0xFFFFFFC0];
	v45 =	vunpack.i.l.bf16.f32 v10;
	v19 =	vunpack.i.u.bf16.f32 v11;
	v46 =	vunpack.i.l.bf16.f32 v11  }
0x136: {  	v23 =	vld [tilespmem:s31+$0xFFFFFFC0];
	v9 =	vmul.f32 v45, v44;
	v48 =	vmul.f32 v17, v16;
	v47 =	vunpack.i.l.bf16.f32 v12  }
0x137: {  	v27 =	vld [tilespmem:s30+$0xFFFFFFD0];
	v20 =	vunpack.i.u.bf16.f32 v12;
	v16 =	vunpack.i.u.bf16.f32 v13;
	v10 =	vmul.f32 v47, v46  }
0x138: {  	v29 =	vld [tilespmem:s31+$0xFFFFFFD0];
	v50 =	vmul.f32 v20, v19;
	v13 =	vunpack.i.l.bf16.f32 v13;
	v24 =	vadd.f32 v9, v48  }
0x139: {  	v30 =	vld [tilespmem:s30+$0xFFFFFFE0];
	v9 =	vmax.f32 v9, v48;
	v51 =	vunpack.i.u.bf16.f32 v14;
	v14 =	vunpack.i.l.bf16.f32 v14  }
0x13a: {  	v33 =	vld [tilespmem:s31+$0xFFFFFFE0];
	v22 =	vunpack.i.u.bf16.f32 v15;
	v15 =	vunpack.i.l.bf16.f32 v15;
	v26 =	vunpack.i.u.bf16.f32 v43  }
0x13b: {  	v55 =	vld [tilespmem:s30+$0xFFFFFFF0];
	v8 =	vunpack.i.l.bf16.f32 v43;
	v28 =	vunpack.i.u.bf16.f32 v18;
	v18 =	vunpack.i.l.bf16.f32 v18  }
0x13c: {  	v34 =	vld [tilespmem:s31+$0xFFFFFFF0];
	v53 =	vunpack.i.u.bf16.f32 v21;
	v21 =	vunpack.i.l.bf16.f32 v21;
	v31 =	vunpack.i.u.bf16.f32 v49  }
0x13d: {  	v60 =	vld [tilespmem:s30+$0x10];
	v17 =	vunpack.i.l.bf16.f32 v49;
	v32 =	vunpack.i.u.bf16.f32 v52;
	v20 =	vunpack.i.l.bf16.f32 v52  }
0x13e: {  	v38 =	vld [tilespmem:s31+$0x10];
	v54 =	vunpack.i.u.bf16.f32 v23;
	v23 =	vunpack.i.l.bf16.f32 v23;
	v56 =	vunpack.i.u.bf16.f32 v27  }
0x13f: {  	v39 =	vld [tilespmem:s31+$0x20];
	v27 =	vunpack.i.l.bf16.f32 v27;
	v57 =	vunpack.i.u.bf16.f32 v29;
	v29 =	vunpack.i.l.bf16.f32 v29  }
0x140: {  	v36 =	vunpack.i.u.bf16.f32 v30;
	v58 =	vunpack.i.l.bf16.f32 v30;
	v59 =	vunpack.i.u.bf16.f32 v33  }
0x141: {  	v35 =	vld [tilespmem:s30+$0x0];
	v61 =	vunpack.i.l.bf16.f32 v33;
	v62 =	vunpack.i.u.bf16.f32 v55;
	v25 =	vadd.f32 v10, v50  }
0x142: {  	v63 =	vunpack.i.u.bf16.f32 v34;
	v34 =	vunpack.i.l.bf16.f32 v34;
	v30 =	vunpack.i.l.bf16.f32 v60  }
0x143: {  	v41 =	vld [tilespmem:s30+$0x30];
	v45 =	vunpack.i.u.bf16.f32 v38;
	v38 =	vunpack.i.l.bf16.f32 v38;
	v24 =	vadd.f32 v25, v24  }
0x144: {  	v49 =	vunpack.i.u.bf16.f32 v39;
	v39 =	vunpack.i.l.bf16.f32 v39;
	v14 =	vmul.f32 v15, v14  }
0x145: {  	v19 =	vmul.f32 v22, v51;
	v8 =	vmul.f32 v18, v8;
	v10 =	vmax.f32 v10, v50;
	(xrf2) =	vadd.scan.msk.f32 $0xffff, v24  }
0x146: {  	v37 =	vld [tilespmem:s31+$0x0];
	v17 =	vmul.f32 v17, v21;
	v21 =	vunpack.i.u.bf16.f32 v35;
	v35 =	vunpack.i.l.bf16.f32 v35  }
0x147: {  	v20 =	vmul.f32 v23, v20;
	v23 =	vunpack.i.u.bf16.f32 v60;
	v15 =	vmul.f32 v54, v32  }
0x148: {  	v46 =	vld [tilespmem:s30+$0x40];
	v27 =	vmul.f32 v29, v27;
	v54 =	vunpack.i.u.bf16.f32 v41;
	v18 =	vmul.f32 v57, v56  }
0x149: {  	v12 =	vmul.f32 v59, v36;
	v30 =	vmul.f32 v38, v30;
	v9 =	vmax.f32 v9, v10  }
0x14a: {  	v43 =	vld [tilespmem:s31+$0x30];
	v41 =	vunpack.i.l.bf16.f32 v41;
	v10 =	vmul.f32 v61, v58;
	v23 =	vmul.f32 v45, v23;
	(xrf0) =	vmax.scan.msk.f32 $0xffff, v9  }
0x14b: {  	v51 =	vld [tilespmem:s30+$0x20];
	v9 =	vmul.f32 v28, v26;
	v25 =	vmul.f32 v31, v53;
	v31 =	vunpack.i.u.bf16.f32 v37  }
0x14c: {  	v40, _, _ =	vpop (xrf0);
	v37 =	vunpack.i.l.bf16.f32 v37;
	v26 =	vmul.f32 v63, v62;
	v24 =	vunpack.i.l.bf16.f32 v55;
	v55 =	vld [tilespmem:s30+$0xFFFFFF80]  }
0x14d: {  	v42, _, _ =	vpop (xrf2);
	v50 =	vld [tilespmem:s30+$0x50];
	v63 =	vadd.f32 v14, v19;
	v14 =	vmax.f32 v14, v19;
	v58 =	vunpack.i.u.bf16.f32 v46  }
0x14e: {  	v47, _, _ =	vpop (xrf0);
	v56 =	vld [tilespmem:s31+$0x50];
	v46 =	vunpack.i.l.bf16.f32 v46;
	v35 =	vmul.f32 v37, v35;
	v21 =	vmul.f32 v31, v21  }
0x14f: {  	v37 =	vmax.f32 v27, v18;
	v57 =	vunpack.i.u.bf16.f32 v43;
	v43 =	vunpack.i.l.bf16.f32 v43;
	v44, _, _ =	vpop (xrf2)  }
0x150: {  	v53 =	vld [tilespmem:s31+$0x40];
	v52 =	vunpack.i.u.bf16.f32 v51;
	v24 =	vmul.f32 v34, v24;
	v48, _, _ =	vpop (xrf0);
	(v2sf) =	vpush v44, $0xF  }
0x151: {  	v61 =	vunpack.i.l.bf16.f32 v55;
	(v2sf) =	vpush v48, $0xF;
	v48 =	vunpack.i.u.bf16.f32 v55  }
0x152: {  	v28 =	vunpack.i.l.bf16.f32 v51;
	v13 =	vmul.f32 v13, v61;
	v16 =	vmul.f32 v16, v48  }
0x153: {  	v60 =	vunpack.i.u.bf16.f32 v50;
	v50 =	vunpack.i.l.bf16.f32 v50;
	v62 =	vunpack.i.u.bf16.f32 v56  }
0x154: {  	v11 =	vunpack.i.l.bf16.f32 v56;
	v38 =	vmul.f32 v43, v41;
	v51 =	vadd.f32 v13, v16  }
0x155: {  	v32 =	vmul.f32 v49, v52;
	v52 =	vadd.f32 v8, v9;
	v59 =	vunpack.i.u.bf16.f32 v53  }
0x156: {  	v44 =	vunpack.i.l.bf16.f32 v53;
	v53 =	vadd.f32 v17, v25;
	v31 =	vadd.f32 v63, v51  }
0x157: {  	v22 =	vmul.f32 v57, v54;
	v54 =	vadd.f32 v20, v15;
	v56 =	vadd.f32 v10, v12  }
0x158: {  	v15 =	vmax.f32 v20, v15;
	v55 =	vadd.f32 v27, v18;
	v29 =	vadd.f32 v53, v52;
	(xrf2) =	vadd.scan.msk.f32 $0xffff, v31  }
0x159: {  	v10 =	vmax.f32 v10, v12;
	v28 =	vmul.f32 v39, v28;
	v57 =	vadd.f32 v24, v26  }
0x15a: {  	s0 =	spop (v2sf);
	v11 =	vmul.f32 v11, v50;
	v34 =	vmul.f32 v59, v58;
	v58 =	vadd.f32 v55, v54;
	(xrf2) =	vadd.scan.msk.f32 $0xffff, v29  }
0x15b: {  	s12 =	spop (v2sf);
	v59 =	vadd.f32 v35, v21;
	v13 =	vmax.f32 v13, v16;
	v16 =	vadd.f32 v57, v56  }
0x15c: {  	s13 =	spop (v2sf);
	v13 =	vmax.f32 v13, v14;
	v31 =	vmul.f32 v62, v60;
	v60 =	vadd.f32 v30, v23;
	(xrf2) =	vadd.scan.msk.f32 $0xffff, v58  }
0x15d: {  	s14 =	spop (v2sf);
	v8 =	vmax.f32 v8, v9;
	v61 =	vadd.f32 v28, v32;
	v17 =	vmax.f32 v17, v25;
	(xrf0) =	vmax.scan.msk.f32 $0xffff, v13  }
0x15e: {  	s15 =	spop (v2sf);
	v41 =	vmul.f32 v44, v46;
	v8 =	vmax.f32 v8, v17;
	v9 =	vadd.f32 v60, v59;
	(xrf2) =	vadd.scan.msk.f32 $0xffff, v16  }
0x15f: {  	s16 =	spop (v2sf);
	v43 =	vmax.f32 v15, v37;
	(v2sf) =	vpush v42, $0xF;
	(xrf0) =	vmax.scan.msk.f32 $0xffff, v8;
	v62 =	vadd.f32 v38, v22  }
0x160: {  	s17 =	spop (v2sf);
	v39 =	vmax.f32 v24, v26;
	v63 =	vadd.f32 v41, v34;
	v33 =	vadd.f32 v11, v31;
	(xrf2) =	vadd.scan.msk.f32 $0xffff, v9  }
0x161: {  	s18 =	spop (v2sf);
	(v2sf) =	vpush v40, $0xF;
	v8 =	vmax.f32 v10, v39;
	(xrf0) =	vmax.scan.msk.f32 $0xffff, v43;
	v44 =	vadd.f32 v62, v61  }
0x162: {  	s19 =	sadd.s32 $0x7, s29;
	v45 =	vmov s11;
	s11 =	spop (v2sf);
	(v2sf) =	vpush v47, $0xF;
	(xrf0) =	vmax.scan.msk.f32 $0xffff, v8;
	v46 =	vadd.f32 v33, v63;
	v47, _, _ =	vpop (xrf2)  }
0x163: {  	v49 =	vmov s19;
	v50 =	vmax.f32 v35, v21;
	s20 =	spop (v2sf);
	v48, _, _ =	vpop (xrf0);
	(xrf2) =	vadd.scan.msk.f32 $0xffff, v44;
	(v2sf) =	vpush v47, $0xF  }
0x164: {  	s31 =	smul.f32 $1.562500000e-02, s0;
	s0 =	spop (v2sf);
	v53 =	vshrl.u32 v49, $0x3;
	v51 =	vmax.f32 v30, v23;
	v52, _, _ =	vpop (xrf2);
	(xrf2) =	vadd.scan.msk.f32 $0xffff, v46;
	(v2sf) =	vpush v48, $0xF  }
0x165: {  	v12 =	vshll.u32 v53, v0;
	v9 =	vmax.f32 v50, v51;
	v54, _, _ =	vpop (xrf0);
	s19 =	spop (v2sf);
	(v2sf) =	vpush v52, $0xF  }
0x166: {  	s13 =	smul.f32 $1.562500000e-02, s13;
	v56 =	vmax.f32 v28, v32;
	v57 =	vmax.f32 v38, v22;
	(xrf0) =	vmax.scan.msk.f32 $0xffff, v9;
	v55, _, _ =	vpop (xrf2);
	(v2sf) =	vpush v54, $0xF  }
0x167: {  	v12 =	vadd.s32 $0x7, v12;
	v8 =	vmax.f32 v56, v57;
	v59, _, _ =	vpop (xrf0);
	(v2sf) =	vpush v55, $0xF  }
0x168: {  	s13 =	ssub.f32 s13, s14;
	s21 =	smul.f32 $1.562500000e-02, s15;
	v58 =	vmax.f32 v41, v34;
	v11 =	vmax.f32 v11, v31;
	v60, _, _ =	vpop (xrf2);
	(v2sf) =	vpush v59, $0xF  }
0x169: {  	v14 =	vmov s1;
	s1 =	ssub.f32 s31, s12;
	s31 =	smul.f32 $1.562500000e-02, s17;
	s17 =	sadd.s32 $0x4, s29;
	v9 =	vmax.f32 v58, v11;
	v61, _, _ =	vpop (xrf0);
	(xrf0) =	vmax.scan.msk.f32 $0xffff, v8;
	(v2sf) =	vpush v60, $0xF  }
0x16a: {  	s14 =	ssub.f32 s21, s16;
	s16 =	sadd.s32 $0x3, s29;
	v32 =	vmov s29;
	v40 =	vmov s17;
	(xrf0) =	vmax.scan.msk.f32 $0xffff, v9;
	v27, _, _ =	vpop (xrf2);
	(v2sf) =	vpush v61, $0xF  }
0x16b: {  	s15 =	ssub.f32 s31, s18;
	v28 =	vmov s1;
	s18 =	sadd.s32 $0x5, s28;
	v39 =	vmov s16;
	(v2sf) =	vpush v27, $0xF  }
0x16c: {  	s11 =	smul.f32 $1.562500000e-02, s11;
	v30 =	vmov s14;
	v42 =	vmov s18;
	v21 =	vshrl.u32 v39, $0x3;
	v33, _, _ =	vpop (xrf0)  }
0x16d: {  	s14 =	sadd.s32 $0x1, s29;
	v22 =	vshrl.u32 v40, $0x3;
	v29 =	vmov s13;
	(v2sf) =	vpush v33, $0xF;
	v35, _, _ =	vpop (xrf2)  }
0x16e: {  	[tilespmem:v5+s25+$0x0] =	vst.idx.msk $0x1, v45;
	s11 =	ssub.f32 s11, s20;
	v36 =	vmov s14;
	v45 =	vshrl.u32 v42, $0x3;
	s30 =	spop (v2sf);
	(v2sf) =	vpush v35, $0xF;
	v38, _, _ =	vpop (xrf2)  }
0x16f: {  	v53 =	vshll.u32 v22, v0;
	v62 =	vbroadcast v12, $0x0;
	s12 =	smul.f32 $1.562500000e-02, s19;
	s19 =	spop (v2sf);
	v41, _, _ =	vpop (xrf0);
	(v2sf) =	vpush v38, $0xF  }
0x170: {  	s20 =	sadd.s32 $0x6, s28;
	s0 =	smul.f32 $1.562500000e-02, s0;
	v31 =	vmov s15;
	v34 =	vmov s11;
	s21 =	spop (v2sf);
	v43, _, _ =	vpop (xrf0);
	(v2sf) =	vpush v41, $0xF  }
0x171: {  	s15 =	sadd.s32 $0x2, s29;
	v19 =	vshrl.u32 v36, $0x3;
	v5 =	vshll.u32 v45, v0;
	s12 =	ssub.f32 s12, s30;
	s28 =	spop (v2sf);
	(v2sf) =	vpush v43, $0xF  }
0x172: {  	v16 =	vshrl.u32 v32, $0x3;
	v37 =	vmov s15;
	v5 =	vadd.s32 $0x5, v5;
	s1 =	smul.f32 $1.562500000e-02, s19;
	s30 =	spop (v2sf)  }
0x173: {  	v16 =	vshll.u32 v16, v0;
	v20 =	vshrl.u32 v37, $0x3;
	v44 =	vmov s20;
	s0 =	ssub.f32 s0, s21;
	s31 =	spop (v2sf)  }
0x174: {  	v5 =	vbroadcast v5, $0x0;
	v51 =	vshll.u32 v21, v0;
	v47 =	vshrl.u32 v44, $0x3;
	s1 =	ssub.f32 s1, s28;
	s15 =	spop (v2sf)  }
0x175: {  	[tilespmem:v4+s25+$0x0] =	vst.idx.msk $0x1, v14;
	v49 =	vshll.u32 v20, v0;
	v46 =	vbroadcast v16, $0x0;
	v16 =	vshll.u32 v47, v0;
	s16 =	smul.f32 $1.562500000e-02, s30;
	s17 =	spop (v2sf)  }
0x176: {  	[tilespmem:v3+s25+$0x0] =	vst.idx.msk $0x1, v29;
	v3 =	vadd.s32 $0x3, v51;
	v63 =	vmov s12;
	v50 =	vadd.s32 $0x6, v16;
	s12 =	smul.f32 $1.562500000e-02, s15;
	s18 =	spop (v2sf)  }
0x177: {  	[tilespmem:v1+s25+$0x0] =	vst.idx.msk $0x1, v28;
	v4 =	vadd.s32 $0x2, v49;
	v48 =	vshll.u32 v19, v0;
	v52 =	vbroadcast v50, $0x0;
	s11 =	ssub.f32 s16, s31;
	s19 =	spop (v2sf)  }
0x178: {  	[tilespmem:v2+s25+$0x0] =	vst.idx.msk $0x1, v30;
	v3 =	vbroadcast v3, $0x0;
	v2 =	vbroadcast v4, $0x0;
	s21 =	sadd.s32 $0x5, s29;
	v1 =	vadd.s32 $0x1, v48;
	s12 =	ssub.f32 s12, s17;
	s20 =	spop (v2sf)  }
0x179: {  	[tilespmem:v7+s25+$0x0] =	vst.idx.msk $0x1, v31;
	v58 =	vmov s0;
	v1 =	vbroadcast v1, $0x0;
	v55 =	vmov s21;
	s30 =	sadd.s32 $0x6, s29;
	s15 =	smul.f32 $1.562500000e-02, s18;
	s28 =	spop (v2sf)  }
0x17a: {  	[tilespmem:v6+s25+$0x0] =	vst.idx.msk $0x1, v34;
	v54 =	vadd.s32 $0x4, v53;
	v4 =	vshrl.u32 v55, $0x3;
	v57 =	vmov s30;
	s13 =	smul.f32 $1.562500000e-02, s20;
	s31 =	spop (v2sf)  }
0x17b: {  	[tilespmem:v62+s25+$0x0] =	vst.idx.msk $0x1, v63;
	v56 =	vbroadcast v54, $0x0;
	v4 =	vshll.u32 v4, v0;
	v8 =	vshrl.u32 v57, $0x3;
	s15 =	ssub.f32 s15, s19;
	s16 =	smul.f32 $1.562500000e-02, s31  }
0x17c: {  	[tilespmem:v5+s25+$0x0] =	vst.idx.msk $0x1, v58;
	v59 =	vmov s1;
	v4 =	vadd.s32 $0x5, v4;
	v60 =	vshll.u32 v8, v0;
	s17 =	ssub.f32 s13, s28;
	s18 =	spop (v2sf)  }
0x17d: {  	v4 =	vbroadcast v4, $0x0;
	[tilespmem:v52+s25+$0x0] =	vst.idx.msk $0x1, v59;
	v61 =	vmov s11;
	v6 =	vadd.s32 $0x6, v60;
	s19 =	spop (v2sf);
	s13 =	ssub.f32 s16, s18  }
0x17e: {  	[tilespmem:v46+s25+$0x0] =	vst.idx.msk $0x1, v61;
	v6 =	vbroadcast v6, $0x0;
	v62 =	vmov s12;
	s20 =	smul.f32 $1.562500000e-02, s19;
	s21 =	spop (v2sf)  }
0x17f: {  	[tilespmem:v1+s25+$0x0] =	vst.idx.msk $0x1, v62;
	v63 =	vmov s15;
	s28 =	smul.f32 $1.562500000e-02, s21;
	s29 =	spop (v2sf)  }
0x180: {  	[tilespmem:v2+s25+$0x0] =	vst.idx.msk $0x1, v63;
	v1 =	vmov s17;
	s30 =	ssub.f32 s20, s29;
	s31 =	spop (v2sf)  }
0x181: {  	[tilespmem:v3+s25+$0x0] =	vst.idx.msk $0x1, v1;
	v2 =	vmov s13;
	s0 =	ssub.f32 s28, s31  }
0x182: {  	s26 =	sadd.s32 $0x1, s26;
	[tilespmem:v56+s25+$0x0] =	vst.idx.msk $0x1, v2;
	v1 =	vmov s30  }
0x183: {  	p0 =	sne.s32 s26, s7;
	[tilespmem:v4+s25+$0x0] =	vst.idx.msk $0x1, v1;
	v1 =	vmov s0  }
.Ltmp2:
0x184: {  	[tilespmem:v6+s25+$0x0] =	vst.idx.msk $0x1, v1;
	(pc) =	sbr.rel @p0 .LBB2_1-.Ltmp2, $4  }
0x185: {  	[hbm4b:s6+s2] =	stream.linear.scatter [tilespmem:s25], [sflag:$0x2], $0x200, $0x38;
	[tilespmem:$0x8600] =	vst v63  }
0x186: {  	_ =	swait.ge [sflag:s8], $0x200  }
0x187: {  	[sflag:s8] =	ssyncset.done $0x0  }
0x188: {  	[sflag:s8] =	ssyncadd.s32 $0xFFFFFE00  }
0x189: {  	_ =	sfence.sel $0x180000  }
0x18a: {  	[bflag:$0x0] =	sbarrier.arrive $0xFFFF  }
0x18b: {  	_ =	strace $0x90000047  }
0x18c: {  	s0 =	stileid.u32;
	[bflag:$0x2] =	sbarrier.arrive $0xFFFF  }
0x18d: {  	p0 =	sne.s32 s0, $0x0;
	s0 =	rddreg [dreg:$0x3]  }
0x18e: {  	s0 =	sadd.s32 @!p0 $0x100000, s0  }
0x18f: {  	[sflag:s0] =	ssyncadd.tile.s32 @!p0 $0x1;
	_ =	shalt  }
.Lfunc_end2:
_tile_overlayer_lowered:
.L_overlay_start_2:
0x190: {  	(tag) =	ssettag $0x2  }
0x191: {  	s0 =	rddreg [dreg:$0x0];
	s2 =	stileid.u32  }
0x192: {  	s1 =	rddreg [dreg:$0x1];
	p0 =	sne.s32 s2, $0x0  }
0x193: {  	s3 =	rddreg [dreg:$0x2];
	[bflag:$0x3] =	sbarrier.arrive $0xFFFF;
	s2 =	simm.s32 @!p0 $0x1C02  }
0x194: {  	[timem:s3], [sflag:s2] =	dma.local @!p0 [hbm:s0], s1  }
0x195: {  	s0 =	simm.s32 @!p0 $0x2  }
0x196: {  	_ =	swait.ge @!p0 [sflag:s0], s1  }
0x197: {  	s1 =	ssub.s32 @!p0 $0x0, s1;
	[sflag:s0] =	ssyncset.done @!p0 $0x0  }
0x198: {  	[sflag:s0] =	ssyncadd.s32 @!p0 s1  }
0x199: {  	[bflag:$0x3] =	sbarrier.arrive $0xFFFF  }
0x19a: {  	_ =	shalt  }

</sc_bundles>
